<compile_context>
chip_gen: v7x
topology: tpu7x:2x2x1
jax: 0.10.2.dev20260603
libtpu: 0.0.44.dev20260713+nightly
codegen_flags: <defaults>
</compile_context>

<pallas_src>
import functools

import jax
import jax.numpy as jnp
from jax import lax
from jax.experimental import pallas as pl
from jax.experimental.pallas import tpu as pltpu
from jax.experimental.pallas import tpu_sc as plsc

B = 16384
D = 64
NC, NS = 2, 16
NW = NC * NS
B_PER_W = B // NW
H = B_PER_W // 2
G = 16

_MESH = plsc.VectorSubcoreMesh(core_axis_name="c", subcore_axis_name="s")


@functools.partial(
    pl.kernel,
    out_type=jax.ShapeDtypeStruct((B, D), jnp.float32),
    mesh=_MESH,
    scratch_types=[
        pltpu.VMEM((B_PER_W,), jnp.int32),
        pltpu.VMEM((H, D), jnp.float32),
        pltpu.VMEM_SHARED((NS, H, D), jnp.float32),
        pltpu.SemaphoreType.DMA,
        pltpu.SemaphoreType.DMA,
    ],
    compiler_params=pltpu.CompilerParams(use_tc_tiling_on_sc=True),
)
def _gather_impl(idx_hbm, table_hbm, out_hbm, idx_v, rows_v, srows_v, tsem, ssem):
    cid = lax.axis_index("c")
    sid = lax.axis_index("s")
    wid = sid * NC + cid
    base = wid * B_PER_W
    pltpu.sync_copy(idx_hbm.at[pl.ds(base, B_PER_W)], idx_v)

    my_srows = srows_v.at[sid]

    @plsc.parallel_loop(0, H, step=G)
    def _(g):
        vec = idx_v[pl.ds(g, G)]
        svec = idx_v[pl.ds(H + g, G)]
        for l in range(G):
            pltpu.async_copy(
                table_hbm.at[pl.ds(svec[l], 1)],
                my_srows.at[pl.ds(g + l, 1)],
                ssem,
            )
            pltpu.async_copy(
                table_hbm.at[pl.ds(vec[l], 1)],
                rows_v.at[pl.ds(g + l, 1)],
                tsem,
            )

    pltpu.make_async_copy(table_hbm.at[pl.ds(0, H)], rows_v, tsem).wait()
    pltpu.sync_copy(rows_v, out_hbm.at[pl.ds(base, H)])
    pltpu.make_async_copy(table_hbm.at[pl.ds(0, H)], my_srows, ssem).wait()
    pltpu.sync_copy(my_srows, out_hbm.at[pl.ds(base + H, H)])


def kernel(customer_id, table):
    idx = customer_id.astype(jnp.int32)
    return _gather_impl(idx, table)

# --- scband reference (transcript-rebuilt; emitter-appended) ---
"""Pipeline reference for scband-customer-model-81226421502395 (READ-ONLY COPY).

The authoritative reference and input builder live on the scoring server;
editing this copy changes nothing except your own understanding.
"""

import jax, jax.numpy as jnp
import numpy as np


def setup_inputs(seed: int = 0) -> dict:
    key = jax.random.key(seed)
    k1, k2 = jax.random.split(key)
    customer_id = jax.random.randint(k1, (16384,), 0, 1000000, dtype=jnp.int64)
    table = jax.random.normal(k2, (1000000, 64), dtype=jnp.float32) * 0.05
    return {"customer_id": customer_id, "table": table}


def reference(customer_id, table):
    # Faithful translation of CustomerModel.call: embedding lookup of customer_id
    # tf.keras.layers.Embedding -> gather rows of the embedding table
    return jnp.take(table, customer_id, axis=0)

if __name__ == "__main__":
    import jax
    _d = setup_inputs()
    print(jax.jit(kernel)(*tuple(_d.values())))

</pallas_src>

<mosaic_0001>
#map = affine_map<(d0, d1) -> (0)>
#map1 = affine_map<(d0, d1) -> (0, 0)>
module attributes {stable_mosaic.version = 14 : i64} {
  func.func @_gather_impl(%arg0: i32, %arg1: i32, %arg2: memref<16384xi32, #tpu.memory_space<hbm>>, %arg3: memref<1000000x64xf32, #tpu.memory_space<hbm>>, %arg4: memref<16384x64xf32, #tpu.memory_space<hbm>>, %arg5: memref<512xi32, #tpu.memory_space<vmem>>, %arg6: memref<256x64xf32, #tpu.memory_space<vmem>>, %arg7: memref<16x256x64xf32, #tpu.memory_space<vmem_shared>>, %arg8: memref<!tpu.dma_semaphore, #tpu.memory_space<semaphore_mem>>, %arg9: memref<!tpu.dma_semaphore, #tpu.memory_space<semaphore_mem>>) attributes {dimension_semantics = [#tpu.dimension_semantics<core_parallel>, #tpu.dimension_semantics<subcore_parallel>], iteration_bounds = array<i64: 2, 16>, scalar_prefetch = 0 : i64, scratch_operands = 5 : i64, tpu.core_type = #tpu.core_type<sc_vector_subcore>, window_params = [{transform_indices = #map}, {transform_indices = #map1}, {transform_indices = #map1}]} {
    %mul3A = arith.constant 2 : i32
    %mul3A_0 = arith.muli %arg1, %mul3A : i32
    %add3A = arith.addi %mul3A_0, %arg0 : i32
    %mul3A_1 = arith.constant 512 : i32
    %mul3A_2 = arith.muli %add3A, %mul3A_1 : i32
    "tpu.region"() ({
      %run_scoped3A = tpu.sem_alloc : memref<!tpu.dma_semaphore, #tpu.memory_space<semaphore_mem>>
      %dma_start3A = tpu.memref_slice %arg2[%mul3A_2] : memref<16384xi32, #tpu.memory_space<hbm>> -> memref<512xi32, #tpu.memory_space<hbm>>
      %dma_start3A_19 = tpu.memref_slice %arg2[%mul3A_2] : memref<16384xi32, #tpu.memory_space<hbm>> -> memref<512xi32, #tpu.memory_space<hbm>>
      tpu.enqueue_dma source(%dma_start3A_19 : memref<512xi32, #tpu.memory_space<hbm>>) target(%arg5 : memref<512xi32, #tpu.memory_space<vmem>>) target_semaphore(%run_scoped3A : memref<!tpu.dma_semaphore, #tpu.memory_space<semaphore_mem>>)
      %dma_wait3A_20 = tpu.memref_slice %arg2[%mul3A_2] : memref<16384xi32, #tpu.memory_space<hbm>> -> memref<512xi32, #tpu.memory_space<hbm>>
      %dma_wait3A_21 = tpu.memref_slice %arg2[%mul3A_2] : memref<16384xi32, #tpu.memory_space<hbm>> -> memref<512xi32, #tpu.memory_space<hbm>>
      tpu.wait_dma2 semaphore(%run_scoped3A : memref<!tpu.dma_semaphore, #tpu.memory_space<semaphore_mem>>) src(%dma_wait3A_21 : memref<512xi32, #tpu.memory_space<hbm>>) dst(%arg5 : memref<512xi32, #tpu.memory_space<vmem>>)
      tpu.yield
    }) : () -> ()
    %parallel_loop3A = arith.constant 0 : i32
    %parallel_loop3A_3 = arith.constant 256 : i32
    %parallel_loop3A_4 = arith.constant 16 : i32
    scf.for %parallel_loop3A_19 = %parallel_loop3A to %parallel_loop3A_3 step %parallel_loop3A_4  : i32 {
      %parallel_loop3A_20 = arith.index_cast %parallel_loop3A_19 : i32 to index
      %parallel_loop3A_21 = tpu.vector_load %arg5[%parallel_loop3A_20] {strides = array<i32>} : memref<512xi32, #tpu.memory_space<vmem>>, vector<16xi32>,
      %parallel_loop3A_22 = vector.shape_cast %parallel_loop3A_21 : vector<16xi32> to vector<16xi32>
      %parallel_loop3A_23 = arith.constant 256 : i32
      %parallel_loop3A_24 = arith.addi %parallel_loop3A_23, %parallel_loop3A_19 : i32
      %parallel_loop3A_25 = arith.index_cast %parallel_loop3A_24 : i32 to index
      %parallel_loop3A_26 = tpu.vector_load %arg5[%parallel_loop3A_25] {strides = array<i32>} : memref<512xi32, #tpu.memory_space<vmem>>, vector<16xi32>,
      %parallel_loop3A_27 = vector.shape_cast %parallel_loop3A_26 : vector<16xi32> to vector<16xi32>
      %parallel_loop3A_28 = vector.extract_strided_slice %parallel_loop3A_27 {offsets = [0], sizes = [1], strides = [1]} : vector<16xi32> to vector<1xi32>
      %parallel_loop3A_29 = vector.extract %parallel_loop3A_28[0] : i32 from vector<1xi32>
      %parallel_loop3A_30 = arith.constant 0 : i32
      %parallel_loop3A_31 = arith.addi %parallel_loop3A_19, %parallel_loop3A_30 : i32
      %parallel_loop3A_32 = arith.constant 0 : i32
      %parallel_loop3A_33 = arith.constant 0 : i32
      %parallel_loop3A_34 = tpu.memref_slice %arg7[%arg1, %parallel_loop3A_32, %parallel_loop3A_33] : memref<16x256x64xf32, #tpu.memory_space<vmem_shared>> -> memref<1x256x64xf32, #tpu.memory_space<vmem_shared>>
      %parallel_loop3A_35 = tpu.memref_squeeze %parallel_loop3A_34 : memref<1x256x64xf32, #tpu.memory_space<vmem_shared>> -> memref<256x64xf32, #tpu.memory_space<vmem_shared>>
      %parallel_loop3A_36 = arith.constant 0 : i32
      %parallel_loop3A_37 = tpu.memref_slice %parallel_loop3A_35[%parallel_loop3A_31, %parallel_loop3A_36] : memref<256x64xf32, #tpu.memory_space<vmem_shared>> -> memref<1x64xf32, #tpu.memory_space<vmem_shared>>
      %parallel_loop3A_38 = arith.constant 0 : i32
      %parallel_loop3A_39 = tpu.memref_slice %arg3[%parallel_loop3A_29, %parallel_loop3A_38] : memref<1000000x64xf32, #tpu.memory_space<hbm>> -> memref<1x64xf32, #tpu.memory_space<hbm>>
      tpu.enqueue_dma source(%parallel_loop3A_39 : memref<1x64xf32, #tpu.memory_space<hbm>>) target(%parallel_loop3A_37 : memref<1x64xf32, #tpu.memory_space<vmem_shared>>) target_semaphore(%arg9 : memref<!tpu.dma_semaphore, #tpu.memory_space<semaphore_mem>>)
      %parallel_loop3A_40 = vector.extract_strided_slice %parallel_loop3A_22 {offsets = [0], sizes = [1], strides = [1]} : vector<16xi32> to vector<1xi32>
      %parallel_loop3A_41 = vector.extract %parallel_loop3A_40[0] : i32 from vector<1xi32>
      %parallel_loop3A_42 = arith.constant 0 : i32
      %parallel_loop3A_43 = arith.addi %parallel_loop3A_19, %parallel_loop3A_42 : i32
      %parallel_loop3A_44 = arith.constant 0 : i32
      %parallel_loop3A_45 = tpu.memref_slice %arg6[%parallel_loop3A_43, %parallel_loop3A_44] : memref<256x64xf32, #tpu.memory_space<vmem>> -> memref<1x64xf32, #tpu.memory_space<vmem>>
      %parallel_loop3A_46 = arith.constant 0 : i32
      %parallel_loop3A_47 = tpu.memref_slice %arg3[%parallel_loop3A_41, %parallel_loop3A_46] : memref<1000000x64xf32, #tpu.memory_space<hbm>> -> memref<1x64xf32, #tpu.memory_space<hbm>>
      %parallel_loop3A_48 = arith.constant 0 : i32
      %parallel_loop3A_49 = tpu.memref_slice %arg6[%parallel_loop3A_43, %parallel_loop3A_48] : memref<256x64xf32, #tpu.memory_space<vmem>> -> memref<1x64xf32, #tpu.memory_space<vmem>>
      %parallel_loop3A_50 = arith.constant 0 : i32
      %parallel_loop3A_51 = tpu.memref_slice %arg3[%parallel_loop3A_41, %parallel_loop3A_50] : memref<1000000x64xf32, #tpu.memory_space<hbm>> -> memref<1x64xf32, #tpu.memory_space<hbm>>
      tpu.enqueue_dma source(%parallel_loop3A_51 : memref<1x64xf32, #tpu.memory_space<hbm>>) target(%parallel_loop3A_49 : memref<1x64xf32, #tpu.memory_space<vmem>>) target_semaphore(%arg8 : memref<!tpu.dma_semaphore, #tpu.memory_space<semaphore_mem>>)
      %parallel_loop3A_52 = vector.extract_strided_slice %parallel_loop3A_27 {offsets = [1], sizes = [1], strides = [1]} : vector<16xi32> to vector<1xi32>
      %parallel_loop3A_53 = vector.extract %parallel_loop3A_52[0] : i32 from vector<1xi32>
      %parallel_loop3A_54 = arith.constant 1 : i32
      %parallel_loop3A_55 = arith.addi %parallel_loop3A_19, %parallel_loop3A_54 : i32
      %parallel_loop3A_56 = arith.constant 0 : i32
      %parallel_loop3A_57 = arith.constant 0 : i32
      %parallel_loop3A_58 = tpu.memref_slice %arg7[%arg1, %parallel_loop3A_56, %parallel_loop3A_57] : memref<16x256x64xf32, #tpu.memory_space<vmem_shared>> -> memref<1x256x64xf32, #tpu.memory_space<vmem_shared>>
      %parallel_loop3A_59 = tpu.memref_squeeze %parallel_loop3A_58 : memref<1x256x64xf32, #tpu.memory_space<vmem_shared>> -> memref<256x64xf32, #tpu.memory_space<vmem_shared>>
      %parallel_loop3A_60 = arith.constant 0 : i32
      %parallel_loop3A_61 = tpu.memref_slice %parallel_loop3A_59[%parallel_loop3A_55, %parallel_loop3A_60] : memref<256x64xf32, #tpu.memory_space<vmem_shared>> -> memref<1x64xf32, #tpu.memory_space<vmem_shared>>
      %parallel_loop3A_62 = arith.constant 0 : i32
      %parallel_loop3A_63 = tpu.memref_slice %arg3[%parallel_loop3A_53, %parallel_loop3A_62] : memref<1000000x64xf32, #tpu.memory_space<hbm>> -> memref<1x64xf32, #tpu.memory_space<hbm>>
      tpu.enqueue_dma source(%parallel_loop3A_63 : memref<1x64xf32, #tpu.memory_space<hbm>>) target(%parallel_loop3A_61 : memref<1x64xf32, #tpu.memory_space<vmem_shared>>) target_semaphore(%arg9 : memref<!tpu.dma_semaphore, #tpu.memory_space<semaphore_mem>>)
      %parallel_loop3A_64 = vector.extract_strided_slice %parallel_loop3A_22 {offsets = [1], sizes = [1], strides = [1]} : vector<16xi32> to vector<1xi32>
      %parallel_loop3A_65 = vector.extract %parallel_loop3A_64[0] : i32 from vector<1xi32>
      %parallel_loop3A_66 = arith.constant 1 : i32
      %parallel_loop3A_67 = arith.addi %parallel_loop3A_19, %parallel_loop3A_66 : i32
      %parallel_loop3A_68 = arith.constant 0 : i32
      %parallel_loop3A_69 = tpu.memref_slice %arg6[%parallel_loop3A_67, %parallel_loop3A_68] : memref<256x64xf32, #tpu.memory_space<vmem>> -> memref<1x64xf32, #tpu.memory_space<vmem>>
      %parallel_loop3A_70 = arith.constant 0 : i32
      %parallel_loop3A_71 = tpu.memref_slice %arg3[%parallel_loop3A_65, %parallel_loop3A_70] : memref<1000000x64xf32, #tpu.memory_space<hbm>> -> memref<1x64xf32, #tpu.memory_space<hbm>>
      %parallel_loop3A_72 = arith.constant 0 : i32
      %parallel_loop3A_73 = tpu.memref_slice %arg6[%parallel_loop3A_67, %parallel_loop3A_72] : memref<256x64xf32, #tpu.memory_space<vmem>> -> memref<1x64xf32, #tpu.memory_space<vmem>>
      %parallel_loop3A_74 = arith.constant 0 : i32
      %parallel_loop3A_75 = tpu.memref_slice %arg3[%parallel_loop3A_65, %parallel_loop3A_74] : memref<1000000x64xf32, #tpu.memory_space<hbm>> -> memref<1x64xf32, #tpu.memory_space<hbm>>
      tpu.enqueue_dma source(%parallel_loop3A_75 : memref<1x64xf32, #tpu.memory_space<hbm>>) target(%parallel_loop3A_73 : memref<1x64xf32, #tpu.memory_space<vmem>>) target_semaphore(%arg8 : memref<!tpu.dma_semaphore, #tpu.memory_space<semaphore_mem>>)
      %parallel_loop3A_76 = vector.extract_strided_slice %parallel_loop3A_27 {offsets = [2], sizes = [1], strides = [1]} : vector<16xi32> to vector<1xi32>
      %parallel_loop3A_77 = vector.extract %parallel_loop3A_76[0] : i32 from vector<1xi32>
      %parallel_loop3A_78 = arith.constant 2 : i32
      %parallel_loop3A_79 = arith.addi %parallel_loop3A_19, %parallel_loop3A_78 : i32
      %parallel_loop3A_80 = arith.constant 0 : i32
      %parallel_loop3A_81 = arith.constant 0 : i32
      %parallel_loop3A_82 = tpu.memref_slice %arg7[%arg1, %parallel_loop3A_80, %parallel_loop3A_81] : memref<16x256x64xf32, #tpu.memory_space<vmem_shared>> -> memref<1x256x64xf32, #tpu.memory_space<vmem_shared>>
      %parallel_loop3A_83 = tpu.memref_squeeze %parallel_loop3A_82 : memref<1x256x64xf32, #tpu.memory_space<vmem_shared>> -> memref<256x64xf32, #tpu.memory_space<vmem_shared>>
      %parallel_loop3A_84 = arith.constant 0 : i32
      %parallel_loop3A_85 = tpu.memref_slice %parallel_loop3A_83[%parallel_loop3A_79, %parallel_loop3A_84] : memref<256x64xf32, #tpu.memory_space<vmem_shared>> -> memref<1x64xf32, #tpu.memory_space<vmem_shared>>
      %parallel_loop3A_86 = arith.constant 0 : i32
      %parallel_loop3A_87 = tpu.memref_slice %arg3[%parallel_loop3A_77, %parallel_loop3A_86] : memref<1000000x64xf32, #tpu.memory_space<hbm>> -> memref<1x64xf32, #tpu.memory_space<hbm>>
      tpu.enqueue_dma source(%parallel_loop3A_87 : memref<1x64xf32, #tpu.memory_space<hbm>>) target(%parallel_loop3A_85 : memref<1x64xf32, #tpu.memory_space<vmem_shared>>) target_semaphore(%arg9 : memref<!tpu.dma_semaphore, #tpu.memory_space<semaphore_mem>>)
      %parallel_loop3A_88 = vector.extract_strided_slice %parallel_loop3A_22 {offsets = [2], sizes = [1], strides = [1]} : vector<16xi32> to vector<1xi32>
      %parallel_loop3A_89 = vector.extract %parallel_loop3A_88[0] : i32 from vector<1xi32>
      %parallel_loop3A_90 = arith.constant 2 : i32
      %parallel_loop3A_91 = arith.addi %parallel_loop3A_19, %parallel_loop3A_90 : i32
      %parallel_loop3A_92 = arith.constant 0 : i32
      %parallel_loop3A_93 = tpu.memref_slice %arg6[%parallel_loop3A_91, %parallel_loop3A_92] : memref<256x64xf32, #tpu.memory_space<vmem>> -> memref<1x64xf32, #tpu.memory_space<vmem>>
      %parallel_loop3A_94 = arith.constant 0 : i32
      %parallel_loop3A_95 = tpu.memref_slice %arg3[%parallel_loop3A_89, %parallel_loop3A_94] : memref<1000000x64xf32, #tpu.memory_space<hbm>> -> memref<1x64xf32, #tpu.memory_space<hbm>>
      %parallel_loop3A_96 = arith.constant 0 : i32
      %parallel_loop3A_97 = tpu.memref_slice %arg6[%parallel_loop3A_91, %parallel_loop3A_96] : memref<256x64xf32, #tpu.memory_space<vmem>> -> memref<1x64xf32, #tpu.memory_space<vmem>>
      %parallel_loop3A_98 = arith.constant 0 : i32
      %parallel_loop3A_99 = tpu.memref_slice %arg3[%parallel_loop3A_89, %parallel_loop3A_98] : memref<1000000x64xf32, #tpu.memory_space<hbm>> -> memref<1x64xf32, #tpu.memory_space<hbm>>
      tpu.enqueue_dma source(%parallel_loop3A_99 : memref<1x64xf32, #tpu.memory_space<hbm>>) target(%parallel_loop3A_97 : memref<1x64xf32, #tpu.memory_space<vmem>>) target_semaphore(%arg8 : memref<!tpu.dma_semaphore, #tpu.memory_space<semaphore_mem>>)
      %parallel_loop3A_100 = vector.extract_strided_slice %parallel_loop3A_27 {offsets = [3], sizes = [1], strides = [1]} : vector<16xi32> to vector<1xi32>
      %parallel_loop3A_101 = vector.extract %parallel_loop3A_100[0] : i32 from vector<1xi32>
      %parallel_loop3A_102 = arith.constant 3 : i32
      %parallel_loop3A_103 = arith.addi %parallel_loop3A_19, %parallel_loop3A_102 : i32
      %parallel_loop3A_104 = arith.constant 0 : i32
      %parallel_loop3A_105 = arith.constant 0 : i32
      %parallel_loop3A_106 = tpu.memref_slice %arg7[%arg1, %parallel_loop3A_104, %parallel_loop3A_105] : memref<16x256x64xf32, #tpu.memory_space<vmem_shared>> -> memref<1x256x64xf32, #tpu.memory_space<vmem_shared>>
      %parallel_loop3A_107 = tpu.memref_squeeze %parallel_loop3A_106 : memref<1x256x64xf32, #tpu.memory_space<vmem_shared>> -> memref<256x64xf32, #tpu.memory_space<vmem_shared>>
      %parallel_loop3A_108 = arith.constant 0 : i32
      %parallel_loop3A_109 = tpu.memref_slice %parallel_loop3A_107[%parallel_loop3A_103, %parallel_loop3A_108] : memref<256x64xf32, #tpu.memory_space<vmem_shared>> -> memref<1x64xf32, #tpu.memory_space<vmem_shared>>
      %parallel_loop3A_110 = arith.constant 0 : i32
      %parallel_loop3A_111 = tpu.memref_slice %arg3[%parallel_loop3A_101, %parallel_loop3A_110] : memref<1000000x64xf32, #tpu.memory_space<hbm>> -> memref<1x64xf32, #tpu.memory_space<hbm>>
      tpu.enqueue_dma source(%parallel_loop3A_111 : memref<1x64xf32, #tpu.memory_space<hbm>>) target(%parallel_loop3A_109 : memref<1x64xf32, #tpu.memory_space<vmem_shared>>) target_semaphore(%arg9 : memref<!tpu.dma_semaphore, #tpu.memory_space<semaphore_mem>>)
      %parallel_loop3A_112 = vector.extract_strided_slice %parallel_loop3A_22 {offsets = [3], sizes = [1], strides = [1]} : vector<16xi32> to vector<1xi32>
      %parallel_loop3A_113 = vector.extract %parallel_loop3A_112[0] : i32 from vector<1xi32>
      %parallel_loop3A_114 = arith.constant 3 : i32
      %parallel_loop3A_115 = arith.addi %parallel_loop3A_19, %parallel_loop3A_114 : i32
      %parallel_loop3A_116 = arith.constant 0 : i32
      %parallel_loop3A_117 = tpu.memref_slice %arg6[%parallel_loop3A_115, %parallel_loop3A_116] : memref<256x64xf32, #tpu.memory_space<vmem>> -> memref<1x64xf32, #tpu.memory_space<vmem>>
      %parallel_loop3A_118 = arith.constant 0 : i32
      %parallel_loop3A_119 = tpu.memref_slice %arg3[%parallel_loop3A_113, %parallel_loop3A_118] : memref<1000000x64xf32, #tpu.memory_space<hbm>> -> memref<1x64xf32, #tpu.memory_space<hbm>>
      %parallel_loop3A_120 = arith.constant 0 : i32
      %parallel_loop3A_121 = tpu.memref_slice %arg6[%parallel_loop3A_115, %parallel_loop3A_120] : memref<256x64xf32, #tpu.memory_space<vmem>> -> memref<1x64xf32, #tpu.memory_space<vmem>>
      %parallel_loop3A_122 = arith.constant 0 : i32
      %parallel_loop3A_123 = tpu.memref_slice %arg3[%parallel_loop3A_113, %parallel_loop3A_122] : memref<1000000x64xf32, #tpu.memory_space<hbm>> -> memref<1x64xf32, #tpu.memory_space<hbm>>
      tpu.enqueue_dma source(%parallel_loop3A_123 : memref<1x64xf32, #tpu.memory_space<hbm>>) target(%parallel_loop3A_121 : memref<1x64xf32, #tpu.memory_space<vmem>>) target_semaphore(%arg8 : memref<!tpu.dma_semaphore, #tpu.memory_space<semaphore_mem>>)
      %parallel_loop3A_124 = vector.extract_strided_slice %parallel_loop3A_27 {offsets = [4], sizes = [1], strides = [1]} : vector<16xi32> to vector<1xi32>
      %parallel_loop3A_125 = vector.extract %parallel_loop3A_124[0] : i32 from vector<1xi32>
      %parallel_loop3A_126 = arith.constant 4 : i32
      %parallel_loop3A_127 = arith.addi %parallel_loop3A_19, %parallel_loop3A_126 : i32
      %parallel_loop3A_128 = arith.constant 0 : i32
      %parallel_loop3A_129 = arith.constant 0 : i32
      %parallel_loop3A_130 = tpu.memref_slice %arg7[%arg1, %parallel_loop3A_128, %parallel_loop3A_129] : memref<16x256x64xf32, #tpu.memory_space<vmem_shared>> -> memref<1x256x64xf32, #tpu.memory_space<vmem_shared>>
      %parallel_loop3A_131 = tpu.memref_squeeze %parallel_loop3A_130 : memref<1x256x64xf32, #tpu.memory_space<vmem_shared>> -> memref<256x64xf32, #tpu.memory_space<vmem_shared>>
      %parallel_loop3A_132 = arith.constant 0 : i32
      %parallel_loop3A_133 = tpu.memref_slice %parallel_loop3A_131[%parallel_loop3A_127, %parallel_loop3A_132] : memref<256x64xf32, #tpu.memory_space<vmem_shared>> -> memref<1x64xf32, #tpu.memory_space<vmem_shared>>
      %parallel_loop3A_134 = arith.constant 0 : i32
      %parallel_loop3A_135 = tpu.memref_slice %arg3[%parallel_loop3A_125, %parallel_loop3A_134] : memref<1000000x64xf32, #tpu.memory_space<hbm>> -> memref<1x64xf32, #tpu.memory_space<hbm>>
      tpu.enqueue_dma source(%parallel_loop3A_135 : memref<1x64xf32, #tpu.memory_space<hbm>>) target(%parallel_loop3A_133 : memref<1x64xf32, #tpu.memory_space<vmem_shared>>) target_semaphore(%arg9 : memref<!tpu.dma_semaphore, #tpu.memory_space<semaphore_mem>>)
      %parallel_loop3A_136 = vector.extract_strided_slice %parallel_loop3A_22 {offsets = [4], sizes = [1], strides = [1]} : vector<16xi32> to vector<1xi32>
      %parallel_loop3A_137 = vector.extract %parallel_loop3A_136[0] : i32 from vector<1xi32>
      %parallel_loop3A_138 = arith.constant 4 : i32
      %parallel_loop3A_139 = arith.addi %parallel_loop3A_19, %parallel_loop3A_138 : i32
      %parallel_loop3A_140 = arith.constant 0 : i32
      %parallel_loop3A_141 = tpu.memref_slice %arg6[%parallel_loop3A_139, %parallel_loop3A_140] : memref<256x64xf32, #tpu.memory_space<vmem>> -> memref<1x64xf32, #tpu.memory_space<vmem>>
      %parallel_loop3A_142 = arith.constant 0 : i32
      %parallel_loop3A_143 = tpu.memref_slice %arg3[%parallel_loop3A_137, %parallel_loop3A_142] : memref<1000000x64xf32, #tpu.memory_space<hbm>> -> memref<1x64xf32, #tpu.memory_space<hbm>>
      %parallel_loop3A_144 = arith.constant 0 : i32
      %parallel_loop3A_145 = tpu.memref_slice %arg6[%parallel_loop3A_139, %parallel_loop3A_144] : memref<256x64xf32, #tpu.memory_space<vmem>> -> memref<1x64xf32, #tpu.memory_space<vmem>>
      %parallel_loop3A_146 = arith.constant 0 : i32
      %parallel_loop3A_147 = tpu.memref_slice %arg3[%parallel_loop3A_137, %parallel_loop3A_146] : memref<1000000x64xf32, #tpu.memory_space<hbm>> -> memref<1x64xf32, #tpu.memory_space<hbm>>
      tpu.enqueue_dma source(%parallel_loop3A_147 : memref<1x64xf32, #tpu.memory_space<hbm>>) target(%parallel_loop3A_145 : memref<1x64xf32, #tpu.memory_space<vmem>>) target_semaphore(%arg8 : memref<!tpu.dma_semaphore, #tpu.memory_space<semaphore_mem>>)
      %parallel_loop3A_148 = vector.extract_strided_slice %parallel_loop3A_27 {offsets = [5], sizes = [1], strides = [1]} : vector<16xi32> to vector<1xi32>
      %parallel_loop3A_149 = vector.extract %parallel_loop3A_148[0] : i32 from vector<1xi32>
      %parallel_loop3A_150 = arith.constant 5 : i32
      %parallel_loop3A_151 = arith.addi %parallel_loop3A_19, %parallel_loop3A_150 : i32
      %parallel_loop3A_152 = arith.constant 0 : i32
      %parallel_loop3A_153 = arith.constant 0 : i32
      %parallel_loop3A_154 = tpu.memref_slice %arg7[%arg1, %parallel_loop3A_152, %parallel_loop3A_153] : memref<16x256x64xf32, #tpu.memory_space<vmem_shared>> -> memref<1x256x64xf32, #tpu.memory_space<vmem_shared>>
      %parallel_loop3A_155 = tpu.memref_squeeze %parallel_loop3A_154 : memref<1x256x64xf32, #tpu.memory_space<vmem_shared>> -> memref<256x64xf32, #tpu.memory_space<vmem_shared>>
      %parallel_loop3A_156 = arith.constant 0 : i32
      %parallel_loop3A_157 = tpu.memref_slice %parallel_loop3A_155[%parallel_loop3A_151, %parallel_loop3A_156] : memref<256x64xf32, #tpu.memory_space<vmem_shared>> -> memref<1x64xf32, #tpu.memory_space<vmem_shared>>
      %parallel_loop3A_158 = arith.constant 0 : i32
      %parallel_loop3A_159 = tpu.memref_slice %arg3[%parallel_loop3A_149, %parallel_loop3A_158] : memref<1000000x64xf32, #tpu.memory_space<hbm>> -> memref<1x64xf32, #tpu.memory_space<hbm>>
      tpu.enqueue_dma source(%parallel_loop3A_159 : memref<1x64xf32, #tpu.memory_space<hbm>>) target(%parallel_loop3A_157 : memref<1x64xf32, #tpu.memory_space<vmem_shared>>) target_semaphore(%arg9 : memref<!tpu.dma_semaphore, #tpu.memory_space<semaphore_mem>>)
      %parallel_loop3A_160 = vector.extract_strided_slice %parallel_loop3A_22 {offsets = [5], sizes = [1], strides = [1]} : vector<16xi32> to vector<1xi32>
      %parallel_loop3A_161 = vector.extract %parallel_loop3A_160[0] : i32 from vector<1xi32>
      %parallel_loop3A_162 = arith.constant 5 : i32
      %parallel_loop3A_163 = arith.addi %parallel_loop3A_19, %parallel_loop3A_162 : i32
      %parallel_loop3A_164 = arith.constant 0 : i32
      %parallel_loop3A_165 = tpu.memref_slice %arg6[%parallel_loop3A_163, %parallel_loop3A_164] : memref<256x64xf32, #tpu.memory_space<vmem>> -> memref<1x64xf32, #tpu.memory_space<vmem>>
      %parallel_loop3A_166 = arith.constant 0 : i32
      %parallel_loop3A_167 = tpu.memref_slice %arg3[%parallel_loop3A_161, %parallel_loop3A_166] : memref<1000000x64xf32, #tpu.memory_space<hbm>> -> memref<1x64xf32, #tpu.memory_space<hbm>>
      %parallel_loop3A_168 = arith.constant 0 : i32
      %parallel_loop3A_169 = tpu.memref_slice %arg6[%parallel_loop3A_163, %parallel_loop3A_168] : memref<256x64xf32, #tpu.memory_space<vmem>> -> memref<1x64xf32, #tpu.memory_space<vmem>>
      %parallel_loop3A_170 = arith.constant 0 : i32
      %parallel_loop3A_171 = tpu.memref_slice %arg3[%parallel_loop3A_161, %parallel_loop3A_170] : memref<1000000x64xf32, #tpu.memory_space<hbm>> -> memref<1x64xf32, #tpu.memory_space<hbm>>
      tpu.enqueue_dma source(%parallel_loop3A_171 : memref<1x64xf32, #tpu.memory_space<hbm>>) target(%parallel_loop3A_169 : memref<1x64xf32, #tpu.memory_space<vmem>>) target_semaphore(%arg8 : memref<!tpu.dma_semaphore, #tpu.memory_space<semaphore_mem>>)
      %parallel_loop3A_172 = vector.extract_strided_slice %parallel_loop3A_27 {offsets = [6], sizes = [1], strides = [1]} : vector<16xi32> to vector<1xi32>
      %parallel_loop3A_173 = vector.extract %parallel_loop3A_172[0] : i32 from vector<1xi32>
      %parallel_loop3A_174 = arith.constant 6 : i32
      %parallel_loop3A_175 = arith.addi %parallel_loop3A_19, %parallel_loop3A_174 : i32
      %parallel_loop3A_176 = arith.constant 0 : i32
      %parallel_loop3A_177 = arith.constant 0 : i32
      %parallel_loop3A_178 = tpu.memref_slice %arg7[%arg1, %parallel_loop3A_176, %parallel_loop3A_177] : memref<16x256x64xf32, #tpu.memory_space<vmem_shared>> -> memref<1x256x64xf32, #tpu.memory_space<vmem_shared>>
      %parallel_loop3A_179 = tpu.memref_squeeze %parallel_loop3A_178 : memref<1x256x64xf32, #tpu.memory_space<vmem_shared>> -> memref<256x64xf32, #tpu.memory_space<vmem_shared>>
      %parallel_loop3A_180 = arith.constant 0 : i32
      %parallel_loop3A_181 = tpu.memref_slice %parallel_loop3A_179[%parallel_loop3A_175, %parallel_loop3A_180] : memref<256x64xf32, #tpu.memory_space<vmem_shared>> -> memref<1x64xf32, #tpu.memory_space<vmem_shared>>
      %parallel_loop3A_182 = arith.constant 0 : i32
      %parallel_loop3A_183 = tpu.memref_slice %arg3[%parallel_loop3A_173, %parallel_loop3A_182] : memref<1000000x64xf32, #tpu.memory_space<hbm>> -> memref<1x64xf32, #tpu.memory_space<hbm>>
      tpu.enqueue_dma source(%parallel_loop3A_183 : memref<1x64xf32, #tpu.memory_space<hbm>>) target(%parallel_loop3A_181 : memref<1x64xf32, #tpu.memory_space<vmem_shared>>) target_semaphore(%arg9 : memref<!tpu.dma_semaphore, #tpu.memory_space<semaphore_mem>>)
      %parallel_loop3A_184 = vector.extract_strided_slice %parallel_loop3A_22 {offsets = [6], sizes = [1], strides = [1]} : vector<16xi32> to vector<1xi32>
      %parallel_loop3A_185 = vector.extract %parallel_loop3A_184[0] : i32 from vector<1xi32>
      %parallel_loop3A_186 = arith.constant 6 : i32
      %parallel_loop3A_187 = arith.addi %parallel_loop3A_19, %parallel_loop3A_186 : i32
      %parallel_loop3A_188 = arith.constant 0 : i32
      %parallel_loop3A_189 = tpu.memref_slice %arg6[%parallel_loop3A_187, %parallel_loop3A_188] : memref<256x64xf32, #tpu.memory_space<vmem>> -> memref<1x64xf32, #tpu.memory_space<vmem>>
      %parallel_loop3A_190 = arith.constant 0 : i32
      %parallel_loop3A_191 = tpu.memref_slice %arg3[%parallel_loop3A_185, %parallel_loop3A_190] : memref<1000000x64xf32, #tpu.memory_space<hbm>> -> memref<1x64xf32, #tpu.memory_space<hbm>>
      %parallel_loop3A_192 = arith.constant 0 : i32
      %parallel_loop3A_193 = tpu.memref_slice %arg6[%parallel_loop3A_187, %parallel_loop3A_192] : memref<256x64xf32, #tpu.memory_space<vmem>> -> memref<1x64xf32, #tpu.memory_space<vmem>>
      %parallel_loop3A_194 = arith.constant 0 : i32
      %parallel_loop3A_195 = tpu.memref_slice %arg3[%parallel_loop3A_185, %parallel_loop3A_194] : memref<1000000x64xf32, #tpu.memory_space<hbm>> -> memref<1x64xf32, #tpu.memory_space<hbm>>
      tpu.enqueue_dma source(%parallel_loop3A_195 : memref<1x64xf32, #tpu.memory_space<hbm>>) target(%parallel_loop3A_193 : memref<1x64xf32, #tpu.memory_space<vmem>>) target_semaphore(%arg8 : memref<!tpu.dma_semaphore, #tpu.memory_space<semaphore_mem>>)
      %parallel_loop3A_196 = vector.extract_strided_slice %parallel_loop3A_27 {offsets = [7], sizes = [1], strides = [1]} : vector<16xi32> to vector<1xi32>
      %parallel_loop3A_197 = vector.extract %parallel_loop3A_196[0] : i32 from vector<1xi32>
      %parallel_loop3A_198 = arith.constant 7 : i32
      %parallel_loop3A_199 = arith.addi %parallel_loop3A_19, %parallel_loop3A_198 : i32
      %parallel_loop3A_200 = arith.constant 0 : i32
      %parallel_loop3A_201 = arith.constant 0 : i32
      %parallel_loop3A_202 = tpu.memref_slice %arg7[%arg1, %parallel_loop3A_200, %parallel_loop3A_201] : memref<16x256x64xf32, #tpu.memory_space<vmem_shared>> -> memref<1x256x64xf32, #tpu.memory_space<vmem_shared>>
      %parallel_loop3A_203 = tpu.memref_squeeze %parallel_loop3A_202 : memref<1x256x64xf32, #tpu.memory_space<vmem_shared>> -> memref<256x64xf32, #tpu.memory_space<vmem_shared>>
      %parallel_loop3A_204 = arith.constant 0 : i32
      %parallel_loop3A_205 = tpu.memref_slice %parallel_loop3A_203[%parallel_loop3A_199, %parallel_loop3A_204] : memref<256x64xf32, #tpu.memory_space<vmem_shared>> -> memref<1x64xf32, #tpu.memory_space<vmem_shared>>
      %parallel_loop3A_206 = arith.constant 0 : i32
      %parallel_loop3A_207 = tpu.memref_slice %arg3[%parallel_loop3A_197, %parallel_loop3A_206] : memref<1000000x64xf32, #tpu.memory_space<hbm>> -> memref<1x64xf32, #tpu.memory_space<hbm>>
      tpu.enqueue_dma source(%parallel_loop3A_207 : memref<1x64xf32, #tpu.memory_space<hbm>>) target(%parallel_loop3A_205 : memref<1x64xf32, #tpu.memory_space<vmem_shared>>) target_semaphore(%arg9 : memref<!tpu.dma_semaphore, #tpu.memory_space<semaphore_mem>>)
      %parallel_loop3A_208 = vector.extract_strided_slice %parallel_loop3A_22 {offsets = [7], sizes = [1], strides = [1]} : vector<16xi32> to vector<1xi32>
      %parallel_loop3A_209 = vector.extract %parallel_loop3A_208[0] : i32 from vector<1xi32>
      %parallel_loop3A_210 = arith.constant 7 : i32
      %parallel_loop3A_211 = arith.addi %parallel_loop3A_19, %parallel_loop3A_210 : i32
      %parallel_loop3A_212 = arith.constant 0 : i32
      %parallel_loop3A_213 = tpu.memref_slice %arg6[%parallel_loop3A_211, %parallel_loop3A_212] : memref<256x64xf32, #tpu.memory_space<vmem>> -> memref<1x64xf32, #tpu.memory_space<vmem>>
      %parallel_loop3A_214 = arith.constant 0 : i32
      %parallel_loop3A_215 = tpu.memref_slice %arg3[%parallel_loop3A_209, %parallel_loop3A_214] : memref<1000000x64xf32, #tpu.memory_space<hbm>> -> memref<1x64xf32, #tpu.memory_space<hbm>>
      %parallel_loop3A_216 = arith.constant 0 : i32
      %parallel_loop3A_217 = tpu.memref_slice %arg6[%parallel_loop3A_211, %parallel_loop3A_216] : memref<256x64xf32, #tpu.memory_space<vmem>> -> memref<1x64xf32, #tpu.memory_space<vmem>>
      %parallel_loop3A_218 = arith.constant 0 : i32
      %parallel_loop3A_219 = tpu.memref_slice %arg3[%parallel_loop3A_209, %parallel_loop3A_218] : memref<1000000x64xf32, #tpu.memory_space<hbm>> -> memref<1x64xf32, #tpu.memory_space<hbm>>
      tpu.enqueue_dma source(%parallel_loop3A_219 : memref<1x64xf32, #tpu.memory_space<hbm>>) target(%parallel_loop3A_217 : memref<1x64xf32, #tpu.memory_space<vmem>>) target_semaphore(%arg8 : memref<!tpu.dma_semaphore, #tpu.memory_space<semaphore_mem>>)
      %parallel_loop3A_220 = vector.extract_strided_slice %parallel_loop3A_27 {offsets = [8], sizes = [1], strides = [1]} : vector<16xi32> to vector<1xi32>
      %parallel_loop3A_221 = vector.extract %parallel_loop3A_220[0] : i32 from vector<1xi32>
      %parallel_loop3A_222 = arith.constant 8 : i32
      %parallel_loop3A_223 = arith.addi %parallel_loop3A_19, %parallel_loop3A_222 : i32
      %parallel_loop3A_224 = arith.constant 0 : i32
      %parallel_loop3A_225 = arith.constant 0 : i32
      %parallel_loop3A_226 = tpu.memref_slice %arg7[%arg1, %parallel_loop3A_224, %parallel_loop3A_225] : memref<16x256x64xf32, #tpu.memory_space<vmem_shared>> -> memref<1x256x64xf32, #tpu.memory_space<vmem_shared>>
      %parallel_loop3A_227 = tpu.memref_squeeze %parallel_loop3A_226 : memref<1x256x64xf32, #tpu.memory_space<vmem_shared>> -> memref<256x64xf32, #tpu.memory_space<vmem_shared>>
      %parallel_loop3A_228 = arith.constant 0 : i32
      %parallel_loop3A_229 = tpu.memref_slice %parallel_loop3A_227[%parallel_loop3A_223, %parallel_loop3A_228] : memref<256x64xf32, #tpu.memory_space<vmem_shared>> -> memref<1x64xf32, #tpu.memory_space<vmem_shared>>
      %parallel_loop3A_230 = arith.constant 0 : i32
      %parallel_loop3A_231 = tpu.memref_slice %arg3[%parallel_loop3A_221, %parallel_loop3A_230] : memref<1000000x64xf32, #tpu.memory_space<hbm>> -> memref<1x64xf32, #tpu.memory_space<hbm>>
      tpu.enqueue_dma source(%parallel_loop3A_231 : memref<1x64xf32, #tpu.memory_space<hbm>>) target(%parallel_loop3A_229 : memref<1x64xf32, #tpu.memory_space<vmem_shared>>) target_semaphore(%arg9 : memref<!tpu.dma_semaphore, #tpu.memory_space<semaphore_mem>>)
      %parallel_loop3A_232 = vector.extract_strided_slice %parallel_loop3A_22 {offsets = [8], sizes = [1], strides = [1]} : vector<16xi32> to vector<1xi32>
      %parallel_loop3A_233 = vector.extract %parallel_loop3A_232[0] : i32 from vector<1xi32>
      %parallel_loop3A_234 = arith.constant 8 : i32
      %parallel_loop3A_235 = arith.addi %parallel_loop3A_19, %parallel_loop3A_234 : i32
      %parallel_loop3A_236 = arith.constant 0 : i32
      %parallel_loop3A_237 = tpu.memref_slice %arg6[%parallel_loop3A_235, %parallel_loop3A_236] : memref<256x64xf32, #tpu.memory_space<vmem>> -> memref<1x64xf32, #tpu.memory_space<vmem>>
      %parallel_loop3A_238 = arith.constant 0 : i32
      %parallel_loop3A_239 = tpu.memref_slice %arg3[%parallel_loop3A_233, %parallel_loop3A_238] : memref<1000000x64xf32, #tpu.memory_space<hbm>> -> memref<1x64xf32, #tpu.memory_space<hbm>>
      %parallel_loop3A_240 = arith.constant 0 : i32
      %parallel_loop3A_241 = tpu.memref_slice %arg6[%parallel_loop3A_235, %parallel_loop3A_240] : memref<256x64xf32, #tpu.memory_space<vmem>> -> memref<1x64xf32, #tpu.memory_space<vmem>>
      %parallel_loop3A_242 = arith.constant 0 : i32
      %parallel_loop3A_243 = tpu.memref_slice %arg3[%parallel_loop3A_233, %parallel_loop3A_242] : memref<1000000x64xf32, #tpu.memory_space<hbm>> -> memref<1x64xf32, #tpu.memory_space<hbm>>
      tpu.enqueue_dma source(%parallel_loop3A_243 : memref<1x64xf32, #tpu.memory_space<hbm>>) target(%parallel_loop3A_241 : memref<1x64xf32, #tpu.memory_space<vmem>>) target_semaphore(%arg8 : memref<!tpu.dma_semaphore, #tpu.memory_space<semaphore_mem>>)
      %parallel_loop3A_244 = vector.extract_strided_slice %parallel_loop3A_27 {offsets = [9], sizes = [1], strides = [1]} : vector<16xi32> to vector<1xi32>
      %parallel_loop3A_245 = vector.extract %parallel_loop3A_244[0] : i32 from vector<1xi32>
      %parallel_loop3A_246 = arith.constant 9 : i32
      %parallel_loop3A_247 = arith.addi %parallel_loop3A_19, %parallel_loop3A_246 : i32
      %parallel_loop3A_248 = arith.constant 0 : i32
      %parallel_loop3A_249 = arith.constant 0 : i32
      %parallel_loop3A_250 = tpu.memref_slice %arg7[%arg1, %parallel_loop3A_248, %parallel_loop3A_249] : memref<16x256x64xf32, #tpu.memory_space<vmem_shared>> -> memref<1x256x64xf32, #tpu.memory_space<vmem_shared>>
      %parallel_loop3A_251 = tpu.memref_squeeze %parallel_loop3A_250 : memref<1x256x64xf32, #tpu.memory_space<vmem_shared>> -> memref<256x64xf32, #tpu.memory_space<vmem_shared>>
      %parallel_loop3A_252 = arith.constant 0 : i32
      %parallel_loop3A_253 = tpu.memref_slice %parallel_loop3A_251[%parallel_loop3A_247, %parallel_loop3A_252] : memref<256x64xf32, #tpu.memory_space<vmem_shared>> -> memref<1x64xf32, #tpu.memory_space<vmem_shared>>
      %parallel_loop3A_254 = arith.constant 0 : i32
      %parallel_loop3A_255 = tpu.memref_slice %arg3[%parallel_loop3A_245, %parallel_loop3A_254] : memref<1000000x64xf32, #tpu.memory_space<hbm>> -> memref<1x64xf32, #tpu.memory_space<hbm>>
      tpu.enqueue_dma source(%parallel_loop3A_255 : memref<1x64xf32, #tpu.memory_space<hbm>>) target(%parallel_loop3A_253 : memref<1x64xf32, #tpu.memory_space<vmem_shared>>) target_semaphore(%arg9 : memref<!tpu.dma_semaphore, #tpu.memory_space<semaphore_mem>>)
      %parallel_loop3A_256 = vector.extract_strided_slice %parallel_loop3A_22 {offsets = [9], sizes = [1], strides = [1]} : vector<16xi32> to vector<1xi32>
      %parallel_loop3A_257 = vector.extract %parallel_loop3A_256[0] : i32 from vector<1xi32>
      %parallel_loop3A_258 = arith.constant 9 : i32
      %parallel_loop3A_259 = arith.addi %parallel_loop3A_19, %parallel_loop3A_258 : i32
      %parallel_loop3A_260 = arith.constant 0 : i32
      %parallel_loop3A_261 = tpu.memref_slice %arg6[%parallel_loop3A_259, %parallel_loop3A_260] : memref<256x64xf32, #tpu.memory_space<vmem>> -> memref<1x64xf32, #tpu.memory_space<vmem>>
      %parallel_loop3A_262 = arith.constant 0 : i32
      %parallel_loop3A_263 = tpu.memref_slice %arg3[%parallel_loop3A_257, %parallel_loop3A_262] : memref<1000000x64xf32, #tpu.memory_space<hbm>> -> memref<1x64xf32, #tpu.memory_space<hbm>>
      %parallel_loop3A_264 = arith.constant 0 : i32
      %parallel_loop3A_265 = tpu.memref_slice %arg6[%parallel_loop3A_259, %parallel_loop3A_264] : memref<256x64xf32, #tpu.memory_space<vmem>> -> memref<1x64xf32, #tpu.memory_space<vmem>>
      %parallel_loop3A_266 = arith.constant 0 : i32
      %parallel_loop3A_267 = tpu.memref_slice %arg3[%parallel_loop3A_257, %parallel_loop3A_266] : memref<1000000x64xf32, #tpu.memory_space<hbm>> -> memref<1x64xf32, #tpu.memory_space<hbm>>
      tpu.enqueue_dma source(%parallel_loop3A_267 : memref<1x64xf32, #tpu.memory_space<hbm>>) target(%parallel_loop3A_265 : memref<1x64xf32, #tpu.memory_space<vmem>>) target_semaphore(%arg8 : memref<!tpu.dma_semaphore, #tpu.memory_space<semaphore_mem>>)
      %parallel_loop3A_268 = vector.extract_strided_slice %parallel_loop3A_27 {offsets = [10], sizes = [1], strides = [1]} : vector<16xi32> to vector<1xi32>
      %parallel_loop3A_269 = vector.extract %parallel_loop3A_268[0] : i32 from vector<1xi32>
      %parallel_loop3A_270 = arith.constant 10 : i32
      %parallel_loop3A_271 = arith.addi %parallel_loop3A_19, %parallel_loop3A_270 : i32
      %parallel_loop3A_272 = arith.constant 0 : i32
      %parallel_loop3A_273 = arith.constant 0 : i32
      %parallel_loop3A_274 = tpu.memref_slice %arg7[%arg1, %parallel_loop3A_272, %parallel_loop3A_273] : memref<16x256x64xf32, #tpu.memory_space<vmem_shared>> -> memref<1x256x64xf32, #tpu.memory_space<vmem_shared>>
      %parallel_loop3A_275 = tpu.memref_squeeze %parallel_loop3A_274 : memref<1x256x64xf32, #tpu.memory_space<vmem_shared>> -> memref<256x64xf32, #tpu.memory_space<vmem_shared>>
      %parallel_loop3A_276 = arith.constant 0 : i32
      %parallel_loop3A_277 = tpu.memref_slice %parallel_loop3A_275[%parallel_loop3A_271, %parallel_loop3A_276] : memref<256x64xf32, #tpu.memory_space<vmem_shared>> -> memref<1x64xf32, #tpu.memory_space<vmem_shared>>
      %parallel_loop3A_278 = arith.constant 0 : i32
      %parallel_loop3A_279 = tpu.memref_slice %arg3[%parallel_loop3A_269, %parallel_loop3A_278] : memref<1000000x64xf32, #tpu.memory_space<hbm>> -> memref<1x64xf32, #tpu.memory_space<hbm>>
      tpu.enqueue_dma source(%parallel_loop3A_279 : memref<1x64xf32, #tpu.memory_space<hbm>>) target(%parallel_loop3A_277 : memref<1x64xf32, #tpu.memory_space<vmem_shared>>) target_semaphore(%arg9 : memref<!tpu.dma_semaphore, #tpu.memory_space<semaphore_mem>>)
      %parallel_loop3A_280 = vector.extract_strided_slice %parallel_loop3A_22 {offsets = [10], sizes = [1], strides = [1]} : vector<16xi32> to vector<1xi32>
      %parallel_loop3A_281 = vector.extract %parallel_loop3A_280[0] : i32 from vector<1xi32>
      %parallel_loop3A_282 = arith.constant 10 : i32
      %parallel_loop3A_283 = arith.addi %parallel_loop3A_19, %parallel_loop3A_282 : i32
      %parallel_loop3A_284 = arith.constant 0 : i32
      %parallel_loop3A_285 = tpu.memref_slice %arg6[%parallel_loop3A_283, %parallel_loop3A_284] : memref<256x64xf32, #tpu.memory_space<vmem>> -> memref<1x64xf32, #tpu.memory_space<vmem>>
      %parallel_loop3A_286 = arith.constant 0 : i32
      %parallel_loop3A_287 = tpu.memref_slice %arg3[%parallel_loop3A_281, %parallel_loop3A_286] : memref<1000000x64xf32, #tpu.memory_space<hbm>> -> memref<1x64xf32, #tpu.memory_space<hbm>>
      %parallel_loop3A_288 = arith.constant 0 : i32
      %parallel_loop3A_289 = tpu.memref_slice %arg6[%parallel_loop3A_283, %parallel_loop3A_288] : memref<256x64xf32, #tpu.memory_space<vmem>> -> memref<1x64xf32, #tpu.memory_space<vmem>>
      %parallel_loop3A_290 = arith.constant 0 : i32
      %parallel_loop3A_291 = tpu.memref_slice %arg3[%parallel_loop3A_281, %parallel_loop3A_290] : memref<1000000x64xf32, #tpu.memory_space<hbm>> -> memref<1x64xf32, #tpu.memory_space<hbm>>
      tpu.enqueue_dma source(%parallel_loop3A_291 : memref<1x64xf32, #tpu.memory_space<hbm>>) target(%parallel_loop3A_289 : memref<1x64xf32, #tpu.memory_space<vmem>>) target_semaphore(%arg8 : memref<!tpu.dma_semaphore, #tpu.memory_space<semaphore_mem>>)
      %parallel_loop3A_292 = vector.extract_strided_slice %parallel_loop3A_27 {offsets = [11], sizes = [1], strides = [1]} : vector<16xi32> to vector<1xi32>
      %parallel_loop3A_293 = vector.extract %parallel_loop3A_292[0] : i32 from vector<1xi32>
      %parallel_loop3A_294 = arith.constant 11 : i32
      %parallel_loop3A_295 = arith.addi %parallel_loop3A_19, %parallel_loop3A_294 : i32
      %parallel_loop3A_296 = arith.constant 0 : i32
      %parallel_loop3A_297 = arith.constant 0 : i32
      %parallel_loop3A_298 = tpu.memref_slice %arg7[%arg1, %parallel_loop3A_296, %parallel_loop3A_297] : memref<16x256x64xf32, #tpu.memory_space<vmem_shared>> -> memref<1x256x64xf32, #tpu.memory_space<vmem_shared>>
      %parallel_loop3A_299 = tpu.memref_squeeze %parallel_loop3A_298 : memref<1x256x64xf32, #tpu.memory_space<vmem_shared>> -> memref<256x64xf32, #tpu.memory_space<vmem_shared>>
      %parallel_loop3A_300 = arith.constant 0 : i32
      %parallel_loop3A_301 = tpu.memref_slice %parallel_loop3A_299[%parallel_loop3A_295, %parallel_loop3A_300] : memref<256x64xf32, #tpu.memory_space<vmem_shared>> -> memref<1x64xf32, #tpu.memory_space<vmem_shared>>
      %parallel_loop3A_302 = arith.constant 0 : i32
      %parallel_loop3A_303 = tpu.memref_slice %arg3[%parallel_loop3A_293, %parallel_loop3A_302] : memref<1000000x64xf32, #tpu.memory_space<hbm>> -> memref<1x64xf32, #tpu.memory_space<hbm>>
      tpu.enqueue_dma source(%parallel_loop3A_303 : memref<1x64xf32, #tpu.memory_space<hbm>>) target(%parallel_loop3A_301 : memref<1x64xf32, #tpu.memory_space<vmem_shared>>) target_semaphore(%arg9 : memref<!tpu.dma_semaphore, #tpu.memory_space<semaphore_mem>>)
      %parallel_loop3A_304 = vector.extract_strided_slice %parallel_loop3A_22 {offsets = [11], sizes = [1], strides = [1]} : vector<16xi32> to vector<1xi32>
      %parallel_loop3A_305 = vector.extract %parallel_loop3A_304[0] : i32 from vector<1xi32>
      %parallel_loop3A_306 = arith.constant 11 : i32
      %parallel_loop3A_307 = arith.addi %parallel_loop3A_19, %parallel_loop3A_306 : i32
      %parallel_loop3A_308 = arith.constant 0 : i32
      %parallel_loop3A_309 = tpu.memref_slice %arg6[%parallel_loop3A_307, %parallel_loop3A_308] : memref<256x64xf32, #tpu.memory_space<vmem>> -> memref<1x64xf32, #tpu.memory_space<vmem>>
      %parallel_loop3A_310 = arith.constant 0 : i32
      %parallel_loop3A_311 = tpu.memref_slice %arg3[%parallel_loop3A_305, %parallel_loop3A_310] : memref<1000000x64xf32, #tpu.memory_space<hbm>> -> memref<1x64xf32, #tpu.memory_space<hbm>>
      %parallel_loop3A_312 = arith.constant 0 : i32
      %parallel_loop3A_313 = tpu.memref_slice %arg6[%parallel_loop3A_307, %parallel_loop3A_312] : memref<256x64xf32, #tpu.memory_space<vmem>> -> memref<1x64xf32, #tpu.memory_space<vmem>>
      %parallel_loop3A_314 = arith.constant 0 : i32
      %parallel_loop3A_315 = tpu.memref_slice %arg3[%parallel_loop3A_305, %parallel_loop3A_314] : memref<1000000x64xf32, #tpu.memory_space<hbm>> -> memref<1x64xf32, #tpu.memory_space<hbm>>
      tpu.enqueue_dma source(%parallel_loop3A_315 : memref<1x64xf32, #tpu.memory_space<hbm>>) target(%parallel_loop3A_313 : memref<1x64xf32, #tpu.memory_space<vmem>>) target_semaphore(%arg8 : memref<!tpu.dma_semaphore, #tpu.memory_space<semaphore_mem>>)
      %parallel_loop3A_316 = vector.extract_strided_slice %parallel_loop3A_27 {offsets = [12], sizes = [1], strides = [1]} : vector<16xi32> to vector<1xi32>
      %parallel_loop3A_317 = vector.extract %parallel_loop3A_316[0] : i32 from vector<1xi32>
      %parallel_loop3A_318 = arith.constant 12 : i32
      %parallel_loop3A_319 = arith.addi %parallel_loop3A_19, %parallel_loop3A_318 : i32
      %parallel_loop3A_320 = arith.constant 0 : i32
      %parallel_loop3A_321 = arith.constant 0 : i32
      %parallel_loop3A_322 = tpu.memref_slice %arg7[%arg1, %parallel_loop3A_320, %parallel_loop3A_321] : memref<16x256x64xf32, #tpu.memory_space<vmem_shared>> -> memref<1x256x64xf32, #tpu.memory_space<vmem_shared>>
      %parallel_loop3A_323 = tpu.memref_squeeze %parallel_loop3A_322 : memref<1x256x64xf32, #tpu.memory_space<vmem_shared>> -> memref<256x64xf32, #tpu.memory_space<vmem_shared>>
      %parallel_loop3A_324 = arith.constant 0 : i32
      %parallel_loop3A_325 = tpu.memref_slice %parallel_loop3A_323[%parallel_loop3A_319, %parallel_loop3A_324] : memref<256x64xf32, #tpu.memory_space<vmem_shared>> -> memref<1x64xf32, #tpu.memory_space<vmem_shared>>
      %parallel_loop3A_326 = arith.constant 0 : i32
      %parallel_loop3A_327 = tpu.memref_slice %arg3[%parallel_loop3A_317, %parallel_loop3A_326] : memref<1000000x64xf32, #tpu.memory_space<hbm>> -> memref<1x64xf32, #tpu.memory_space<hbm>>
      tpu.enqueue_dma source(%parallel_loop3A_327 : memref<1x64xf32, #tpu.memory_space<hbm>>) target(%parallel_loop3A_325 : memref<1x64xf32, #tpu.memory_space<vmem_shared>>) target_semaphore(%arg9 : memref<!tpu.dma_semaphore, #tpu.memory_space<semaphore_mem>>)
      %parallel_loop3A_328 = vector.extract_strided_slice %parallel_loop3A_22 {offsets = [12], sizes = [1], strides = [1]} : vector<16xi32> to vector<1xi32>
      %parallel_loop3A_329 = vector.extract %parallel_loop3A_328[0] : i32 from vector<1xi32>
      %parallel_loop3A_330 = arith.constant 12 : i32
      %parallel_loop3A_331 = arith.addi %parallel_loop3A_19, %parallel_loop3A_330 : i32
      %parallel_loop3A_332 = arith.constant 0 : i32
      %parallel_loop3A_333 = tpu.memref_slice %arg6[%parallel_loop3A_331, %parallel_loop3A_332] : memref<256x64xf32, #tpu.memory_space<vmem>> -> memref<1x64xf32, #tpu.memory_space<vmem>>
      %parallel_loop3A_334 = arith.constant 0 : i32
      %parallel_loop3A_335 = tpu.memref_slice %arg3[%parallel_loop3A_329, %parallel_loop3A_334] : memref<1000000x64xf32, #tpu.memory_space<hbm>> -> memref<1x64xf32, #tpu.memory_space<hbm>>
      %parallel_loop3A_336 = arith.constant 0 : i32
      %parallel_loop3A_337 = tpu.memref_slice %arg6[%parallel_loop3A_331, %parallel_loop3A_336] : memref<256x64xf32, #tpu.memory_space<vmem>> -> memref<1x64xf32, #tpu.memory_space<vmem>>
      %parallel_loop3A_338 = arith.constant 0 : i32
      %parallel_loop3A_339 = tpu.memref_slice %arg3[%parallel_loop3A_329, %parallel_loop3A_338] : memref<1000000x64xf32, #tpu.memory_space<hbm>> -> memref<1x64xf32, #tpu.memory_space<hbm>>
      tpu.enqueue_dma source(%parallel_loop3A_339 : memref<1x64xf32, #tpu.memory_space<hbm>>) target(%parallel_loop3A_337 : memref<1x64xf32, #tpu.memory_space<vmem>>) target_semaphore(%arg8 : memref<!tpu.dma_semaphore, #tpu.memory_space<semaphore_mem>>)
      %parallel_loop3A_340 = vector.extract_strided_slice %parallel_loop3A_27 {offsets = [13], sizes = [1], strides = [1]} : vector<16xi32> to vector<1xi32>
      %parallel_loop3A_341 = vector.extract %parallel_loop3A_340[0] : i32 from vector<1xi32>
      %parallel_loop3A_342 = arith.constant 13 : i32
      %parallel_loop3A_343 = arith.addi %parallel_loop3A_19, %parallel_loop3A_342 : i32
      %parallel_loop3A_344 = arith.constant 0 : i32
      %parallel_loop3A_345 = arith.constant 0 : i32
      %parallel_loop3A_346 = tpu.memref_slice %arg7[%arg1, %parallel_loop3A_344, %parallel_loop3A_345] : memref<16x256x64xf32, #tpu.memory_space<vmem_shared>> -> memref<1x256x64xf32, #tpu.memory_space<vmem_shared>>
      %parallel_loop3A_347 = tpu.memref_squeeze %parallel_loop3A_346 : memref<1x256x64xf32, #tpu.memory_space<vmem_shared>> -> memref<256x64xf32, #tpu.memory_space<vmem_shared>>
      %parallel_loop3A_348 = arith.constant 0 : i32
      %parallel_loop3A_349 = tpu.memref_slice %parallel_loop3A_347[%parallel_loop3A_343, %parallel_loop3A_348] : memref<256x64xf32, #tpu.memory_space<vmem_shared>> -> memref<1x64xf32, #tpu.memory_space<vmem_shared>>
      %parallel_loop3A_350 = arith.constant 0 : i32
      %parallel_loop3A_351 = tpu.memref_slice %arg3[%parallel_loop3A_341, %parallel_loop3A_350] : memref<1000000x64xf32, #tpu.memory_space<hbm>> -> memref<1x64xf32, #tpu.memory_space<hbm>>
      tpu.enqueue_dma source(%parallel_loop3A_351 : memref<1x64xf32, #tpu.memory_space<hbm>>) target(%parallel_loop3A_349 : memref<1x64xf32, #tpu.memory_space<vmem_shared>>) target_semaphore(%arg9 : memref<!tpu.dma_semaphore, #tpu.memory_space<semaphore_mem>>)
      %parallel_loop3A_352 = vector.extract_strided_slice %parallel_loop3A_22 {offsets = [13], sizes = [1], strides = [1]} : vector<16xi32> to vector<1xi32>
      %parallel_loop3A_353 = vector.extract %parallel_loop3A_352[0] : i32 from vector<1xi32>
      %parallel_loop3A_354 = arith.constant 13 : i32
      %parallel_loop3A_355 = arith.addi %parallel_loop3A_19, %parallel_loop3A_354 : i32
      %parallel_loop3A_356 = arith.constant 0 : i32
      %parallel_loop3A_357 = tpu.memref_slice %arg6[%parallel_loop3A_355, %parallel_loop3A_356] : memref<256x64xf32, #tpu.memory_space<vmem>> -> memref<1x64xf32, #tpu.memory_space<vmem>>
      %parallel_loop3A_358 = arith.constant 0 : i32
      %parallel_loop3A_359 = tpu.memref_slice %arg3[%parallel_loop3A_353, %parallel_loop3A_358] : memref<1000000x64xf32, #tpu.memory_space<hbm>> -> memref<1x64xf32, #tpu.memory_space<hbm>>
      %parallel_loop3A_360 = arith.constant 0 : i32
      %parallel_loop3A_361 = tpu.memref_slice %arg6[%parallel_loop3A_355, %parallel_loop3A_360] : memref<256x64xf32, #tpu.memory_space<vmem>> -> memref<1x64xf32, #tpu.memory_space<vmem>>
      %parallel_loop3A_362 = arith.constant 0 : i32
      %parallel_loop3A_363 = tpu.memref_slice %arg3[%parallel_loop3A_353, %parallel_loop3A_362] : memref<1000000x64xf32, #tpu.memory_space<hbm>> -> memref<1x64xf32, #tpu.memory_space<hbm>>
      tpu.enqueue_dma source(%parallel_loop3A_363 : memref<1x64xf32, #tpu.memory_space<hbm>>) target(%parallel_loop3A_361 : memref<1x64xf32, #tpu.memory_space<vmem>>) target_semaphore(%arg8 : memref<!tpu.dma_semaphore, #tpu.memory_space<semaphore_mem>>)
      %parallel_loop3A_364 = vector.extract_strided_slice %parallel_loop3A_27 {offsets = [14], sizes = [1], strides = [1]} : vector<16xi32> to vector<1xi32>
      %parallel_loop3A_365 = vector.extract %parallel_loop3A_364[0] : i32 from vector<1xi32>
      %parallel_loop3A_366 = arith.constant 14 : i32
      %parallel_loop3A_367 = arith.addi %parallel_loop3A_19, %parallel_loop3A_366 : i32
      %parallel_loop3A_368 = arith.constant 0 : i32
      %parallel_loop3A_369 = arith.constant 0 : i32
      %parallel_loop3A_370 = tpu.memref_slice %arg7[%arg1, %parallel_loop3A_368, %parallel_loop3A_369] : memref<16x256x64xf32, #tpu.memory_space<vmem_shared>> -> memref<1x256x64xf32, #tpu.memory_space<vmem_shared>>
      %parallel_loop3A_371 = tpu.memref_squeeze %parallel_loop3A_370 : memref<1x256x64xf32, #tpu.memory_space<vmem_shared>> -> memref<256x64xf32, #tpu.memory_space<vmem_shared>>
      %parallel_loop3A_372 = arith.constant 0 : i32
      %parallel_loop3A_373 = tpu.memref_slice %parallel_loop3A_371[%parallel_loop3A_367, %parallel_loop3A_372] : memref<256x64xf32, #tpu.memory_space<vmem_shared>> -> memref<1x64xf32, #tpu.memory_space<vmem_shared>>
      %parallel_loop3A_374 = arith.constant 0 : i32
      %parallel_loop3A_375 = tpu.memref_slice %arg3[%parallel_loop3A_365, %parallel_loop3A_374] : memref<1000000x64xf32, #tpu.memory_space<hbm>> -> memref<1x64xf32, #tpu.memory_space<hbm>>
      tpu.enqueue_dma source(%parallel_loop3A_375 : memref<1x64xf32, #tpu.memory_space<hbm>>) target(%parallel_loop3A_373 : memref<1x64xf32, #tpu.memory_space<vmem_shared>>) target_semaphore(%arg9 : memref<!tpu.dma_semaphore, #tpu.memory_space<semaphore_mem>>)
      %parallel_loop3A_376 = vector.extract_strided_slice %parallel_loop3A_22 {offsets = [14], sizes = [1], strides = [1]} : vector<16xi32> to vector<1xi32>
      %parallel_loop3A_377 = vector.extract %parallel_loop3A_376[0] : i32 from vector<1xi32>
      %parallel_loop3A_378 = arith.constant 14 : i32
      %parallel_loop3A_379 = arith.addi %parallel_loop3A_19, %parallel_loop3A_378 : i32
      %parallel_loop3A_380 = arith.constant 0 : i32
      %parallel_loop3A_381 = tpu.memref_slice %arg6[%parallel_loop3A_379, %parallel_loop3A_380] : memref<256x64xf32, #tpu.memory_space<vmem>> -> memref<1x64xf32, #tpu.memory_space<vmem>>
      %parallel_loop3A_382 = arith.constant 0 : i32
      %parallel_loop3A_383 = tpu.memref_slice %arg3[%parallel_loop3A_377, %parallel_loop3A_382] : memref<1000000x64xf32, #tpu.memory_space<hbm>> -> memref<1x64xf32, #tpu.memory_space<hbm>>
      %parallel_loop3A_384 = arith.constant 0 : i32
      %parallel_loop3A_385 = tpu.memref_slice %arg6[%parallel_loop3A_379, %parallel_loop3A_384] : memref<256x64xf32, #tpu.memory_space<vmem>> -> memref<1x64xf32, #tpu.memory_space<vmem>>
      %parallel_loop3A_386 = arith.constant 0 : i32
      %parallel_loop3A_387 = tpu.memref_slice %arg3[%parallel_loop3A_377, %parallel_loop3A_386] : memref<1000000x64xf32, #tpu.memory_space<hbm>> -> memref<1x64xf32, #tpu.memory_space<hbm>>
      tpu.enqueue_dma source(%parallel_loop3A_387 : memref<1x64xf32, #tpu.memory_space<hbm>>) target(%parallel_loop3A_385 : memref<1x64xf32, #tpu.memory_space<vmem>>) target_semaphore(%arg8 : memref<!tpu.dma_semaphore, #tpu.memory_space<semaphore_mem>>)
      %parallel_loop3A_388 = vector.extract_strided_slice %parallel_loop3A_27 {offsets = [15], sizes = [1], strides = [1]} : vector<16xi32> to vector<1xi32>
      %parallel_loop3A_389 = vector.extract %parallel_loop3A_388[0] : i32 from vector<1xi32>
      %parallel_loop3A_390 = arith.constant 15 : i32
      %parallel_loop3A_391 = arith.addi %parallel_loop3A_19, %parallel_loop3A_390 : i32
      %parallel_loop3A_392 = arith.constant 0 : i32
      %parallel_loop3A_393 = arith.constant 0 : i32
      %parallel_loop3A_394 = tpu.memref_slice %arg7[%arg1, %parallel_loop3A_392, %parallel_loop3A_393] : memref<16x256x64xf32, #tpu.memory_space<vmem_shared>> -> memref<1x256x64xf32, #tpu.memory_space<vmem_shared>>
      %parallel_loop3A_395 = tpu.memref_squeeze %parallel_loop3A_394 : memref<1x256x64xf32, #tpu.memory_space<vmem_shared>> -> memref<256x64xf32, #tpu.memory_space<vmem_shared>>
      %parallel_loop3A_396 = arith.constant 0 : i32
      %parallel_loop3A_397 = tpu.memref_slice %parallel_loop3A_395[%parallel_loop3A_391, %parallel_loop3A_396] : memref<256x64xf32, #tpu.memory_space<vmem_shared>> -> memref<1x64xf32, #tpu.memory_space<vmem_shared>>
      %parallel_loop3A_398 = arith.constant 0 : i32
      %parallel_loop3A_399 = tpu.memref_slice %arg3[%parallel_loop3A_389, %parallel_loop3A_398] : memref<1000000x64xf32, #tpu.memory_space<hbm>> -> memref<1x64xf32, #tpu.memory_space<hbm>>
      tpu.enqueue_dma source(%parallel_loop3A_399 : memref<1x64xf32, #tpu.memory_space<hbm>>) target(%parallel_loop3A_397 : memref<1x64xf32, #tpu.memory_space<vmem_shared>>) target_semaphore(%arg9 : memref<!tpu.dma_semaphore, #tpu.memory_space<semaphore_mem>>)
      %parallel_loop3A_400 = vector.extract_strided_slice %parallel_loop3A_22 {offsets = [15], sizes = [1], strides = [1]} : vector<16xi32> to vector<1xi32>
      %parallel_loop3A_401 = vector.extract %parallel_loop3A_400[0] : i32 from vector<1xi32>
      %parallel_loop3A_402 = arith.constant 15 : i32
      %parallel_loop3A_403 = arith.addi %parallel_loop3A_19, %parallel_loop3A_402 : i32
      %parallel_loop3A_404 = arith.constant 0 : i32
      %parallel_loop3A_405 = tpu.memref_slice %arg6[%parallel_loop3A_403, %parallel_loop3A_404] : memref<256x64xf32, #tpu.memory_space<vmem>> -> memref<1x64xf32, #tpu.memory_space<vmem>>
      %parallel_loop3A_406 = arith.constant 0 : i32
      %parallel_loop3A_407 = tpu.memref_slice %arg3[%parallel_loop3A_401, %parallel_loop3A_406] : memref<1000000x64xf32, #tpu.memory_space<hbm>> -> memref<1x64xf32, #tpu.memory_space<hbm>>
      %parallel_loop3A_408 = arith.constant 0 : i32
      %parallel_loop3A_409 = tpu.memref_slice %arg6[%parallel_loop3A_403, %parallel_loop3A_408] : memref<256x64xf32, #tpu.memory_space<vmem>> -> memref<1x64xf32, #tpu.memory_space<vmem>>
      %parallel_loop3A_410 = arith.constant 0 : i32
      %parallel_loop3A_411 = tpu.memref_slice %arg3[%parallel_loop3A_401, %parallel_loop3A_410] : memref<1000000x64xf32, #tpu.memory_space<hbm>> -> memref<1x64xf32, #tpu.memory_space<hbm>>
      tpu.enqueue_dma source(%parallel_loop3A_411 : memref<1x64xf32, #tpu.memory_space<hbm>>) target(%parallel_loop3A_409 : memref<1x64xf32, #tpu.memory_space<vmem>>) target_semaphore(%arg8 : memref<!tpu.dma_semaphore, #tpu.memory_space<semaphore_mem>>)
    } {sc.loop_unroll_factor = 1 : i64, sc.parallel_access}
    %dma_wait3A = arith.constant 0 : i32
    %dma_wait3A_5 = arith.constant 0 : i32
    %dma_wait3A_6 = tpu.memref_slice %arg3[%dma_wait3A, %dma_wait3A_5] : memref<1000000x64xf32, #tpu.memory_space<hbm>> -> memref<256x64xf32, #tpu.memory_space<hbm>>
    %dma_wait3A_7 = arith.constant 0 : i32
    %dma_wait3A_8 = arith.constant 0 : i32
    %dma_wait3A_9 = tpu.memref_slice %arg3[%dma_wait3A_7, %dma_wait3A_8] : memref<1000000x64xf32, #tpu.memory_space<hbm>> -> memref<256x64xf32, #tpu.memory_space<hbm>>
    tpu.wait_dma2 semaphore(%arg8 : memref<!tpu.dma_semaphore, #tpu.memory_space<semaphore_mem>>) src(%dma_wait3A_9 : memref<256x64xf32, #tpu.memory_space<hbm>>) dst(%arg6 : memref<256x64xf32, #tpu.memory_space<vmem>>)
    "tpu.region"() ({
      %run_scoped3A = tpu.sem_alloc : memref<!tpu.dma_semaphore, #tpu.memory_space<semaphore_mem>>
      %dma_start3A = arith.constant 0 : i32
      %dma_start3A_19 = tpu.memref_slice %arg4[%mul3A_2, %dma_start3A] : memref<16384x64xf32, #tpu.memory_space<hbm>> -> memref<256x64xf32, #tpu.memory_space<hbm>>
      %dma_start3A_20 = arith.constant 0 : i32
      %dma_start3A_21 = tpu.memref_slice %arg4[%mul3A_2, %dma_start3A_20] : memref<16384x64xf32, #tpu.memory_space<hbm>> -> memref<256x64xf32, #tpu.memory_space<hbm>>
      tpu.enqueue_dma source(%arg6 : memref<256x64xf32, #tpu.memory_space<vmem>>) target(%dma_start3A_21 : memref<256x64xf32, #tpu.memory_space<hbm>>) target_semaphore(%run_scoped3A : memref<!tpu.dma_semaphore, #tpu.memory_space<semaphore_mem>>)
      %dma_wait3A_22 = arith.constant 0 : i32
      %dma_wait3A_23 = tpu.memref_slice %arg4[%mul3A_2, %dma_wait3A_22] : memref<16384x64xf32, #tpu.memory_space<hbm>> -> memref<256x64xf32, #tpu.memory_space<hbm>>
      %dma_wait3A_24 = arith.constant 0 : i32
      %dma_wait3A_25 = tpu.memref_slice %arg4[%mul3A_2, %dma_wait3A_24] : memref<16384x64xf32, #tpu.memory_space<hbm>> -> memref<256x64xf32, #tpu.memory_space<hbm>>
      tpu.wait_dma2 semaphore(%run_scoped3A : memref<!tpu.dma_semaphore, #tpu.memory_space<semaphore_mem>>) src(%arg6 : memref<256x64xf32, #tpu.memory_space<vmem>>) dst(%dma_wait3A_25 : memref<256x64xf32, #tpu.memory_space<hbm>>)
      tpu.yield
    }) : () -> ()
    %dma_wait3A_10 = arith.constant 0 : i32
    %dma_wait3A_11 = arith.constant 0 : i32
    %dma_wait3A_12 = tpu.memref_slice %arg7[%arg1, %dma_wait3A_10, %dma_wait3A_11] : memref<16x256x64xf32, #tpu.memory_space<vmem_shared>> -> memref<1x256x64xf32, #tpu.memory_space<vmem_shared>>
    %dma_wait3A_13 = tpu.memref_squeeze %dma_wait3A_12 : memref<1x256x64xf32, #tpu.memory_space<vmem_shared>> -> memref<256x64xf32, #tpu.memory_space<vmem_shared>>
    %dma_wait3A_14 = arith.constant 0 : i32
    %dma_wait3A_15 = arith.constant 0 : i32
    %dma_wait3A_16 = tpu.memref_slice %arg3[%dma_wait3A_14, %dma_wait3A_15] : memref<1000000x64xf32, #tpu.memory_space<hbm>> -> memref<256x64xf32, #tpu.memory_space<hbm>>
    tpu.wait_dma2 semaphore(%arg9 : memref<!tpu.dma_semaphore, #tpu.memory_space<semaphore_mem>>) src(%dma_wait3A_16 : memref<256x64xf32, #tpu.memory_space<hbm>>) dst(%dma_wait3A_13 : memref<256x64xf32, #tpu.memory_space<vmem_shared>>)
    %add3A_17 = arith.constant 256 : i32
    %add3A_18 = arith.addi %mul3A_2, %add3A_17 : i32
    "tpu.region"() ({
      %run_scoped3A = tpu.sem_alloc : memref<!tpu.dma_semaphore, #tpu.memory_space<semaphore_mem>>
      %dma_start3A = arith.constant 0 : i32
      %dma_start3A_19 = tpu.memref_slice %arg4[%add3A_18, %dma_start3A] : memref<16384x64xf32, #tpu.memory_space<hbm>> -> memref<256x64xf32, #tpu.memory_space<hbm>>
      %dma_start3A_20 = arith.constant 0 : i32
      %dma_start3A_21 = arith.constant 0 : i32
      %dma_start3A_22 = tpu.memref_slice %arg7[%arg1, %dma_start3A_20, %dma_start3A_21] : memref<16x256x64xf32, #tpu.memory_space<vmem_shared>> -> memref<1x256x64xf32, #tpu.memory_space<vmem_shared>>
      %dma_start3A_23 = tpu.memref_squeeze %dma_start3A_22 : memref<1x256x64xf32, #tpu.memory_space<vmem_shared>> -> memref<256x64xf32, #tpu.memory_space<vmem_shared>>
      tpu.enqueue_dma source(%dma_start3A_23 : memref<256x64xf32, #tpu.memory_space<vmem_shared>>) target(%dma_start3A_19 : memref<256x64xf32, #tpu.memory_space<hbm>>) target_semaphore(%run_scoped3A : memref<!tpu.dma_semaphore, #tpu.memory_space<semaphore_mem>>)
      %dma_wait3A_24 = arith.constant 0 : i32
      %dma_wait3A_25 = tpu.memref_slice %arg4[%add3A_18, %dma_wait3A_24] : memref<16384x64xf32, #tpu.memory_space<hbm>> -> memref<256x64xf32, #tpu.memory_space<hbm>>
      %dma_wait3A_26 = arith.constant 0 : i32
      %dma_wait3A_27 = arith.constant 0 : i32
      %dma_wait3A_28 = tpu.memref_slice %arg7[%arg1, %dma_wait3A_26, %dma_wait3A_27] : memref<16x256x64xf32, #tpu.memory_space<vmem_shared>> -> memref<1x256x64xf32, #tpu.memory_space<vmem_shared>>
      %dma_wait3A_29 = tpu.memref_squeeze %dma_wait3A_28 : memref<1x256x64xf32, #tpu.memory_space<vmem_shared>> -> memref<256x64xf32, #tpu.memory_space<vmem_shared>>
      tpu.wait_dma2 semaphore(%run_scoped3A : memref<!tpu.dma_semaphore, #tpu.memory_space<semaphore_mem>>) src(%dma_wait3A_29 : memref<256x64xf32, #tpu.memory_space<vmem_shared>>) dst(%dma_wait3A_25 : memref<256x64xf32, #tpu.memory_space<hbm>>)
      tpu.yield
    }) : () -> ()
    return
  }
}

</mosaic_0001>

<sc_bundles>
// kernel: kernel.3.cloned.1.call-start
scs
__scs_entry_jumppad:
0x0: {  	(pc) =	sbr.rel $0x88, $3  }
0x1: {  	(tag) =	ssettag $0x0;
	lr =	simm.s32 $0x1  }
0x2: {  	[smem:$0x3F9F] =	sst lr;
	_ =	strace $0xD0000000  }
0x3: {  	_ = 	snop  }
0x4: {  	_ = 	snop  }
0x5: {  	_ = 	snop  }
0x6: {  	_ = 	snop  }
0x7: {  	_ = 	snop  }
__scs_overlays_trampoline_lowered:
0x8: {  	[smem:$0x3FAE] =	sst s0  }
0x9: {  	[smem:$0x3FAF] =	sst s1  }
0xa: {  	[smem:$0x3FB0] =	sst s2  }
0xb: {  	[smem:$0x3FB1] =	sst s3  }
0xc: {  	[smem:$0x3FB2] =	sst s4  }
0xd: {  	[smem:$0x3FB3] =	sst s5  }
0xe: {  	[smem:$0x3FB4] =	sst s6  }
0xf: {  	[smem:$0x3FB5] =	sst s7  }
0x10: {  	[smem:$0x3FB6] =	sst s8  }
0x11: {  	[smem:$0x3FB7] =	sst s9;
	s0 =	simm.s32 @!p0 $0x0  }
0x12: {  	s1 =	sld [smem:$0x3F9D];
	s0 =	simm.s32 @p0 $0x1  }
0x13: {  	[smem:$0x3FB8] =	sst s0;
	s0 =	simm.s32 @!p1 $0x0  }
0x14: {  	s2 =	sld [smem:$0x3F9C];
	s0 =	simm.s32 @p1 $0x1  }
0x15: {  	[smem:$0x3FB9] =	sst s0;
	s0 =	simm.s32 @!p2 $0x0  }
0x16: {  	s3 =	sld [smem:$0x3FDB];
	s0 =	simm.s32 @p2 $0x1  }
0x17: {  	s4 =	simm.s32 $0x1BF5;
	[smem:$0x3FBB] =	sst s0  }
0x18: {  	s0 =	sld [smem:$0x3F9E];
	_ =	swait.ge [sflag:s4], $0x0  }
0x19: {  	s7 =	sld [smem:$0x3F9F]  }
0x1a: {  	s8 =	sadd.s32 $0xFFFFE003, lr  }
0x1b: {  	s9 =	sadd.s32 $0xFFFFFEF7, lr;
	s5 =	simm.s32 $0xFFFFFFFF;
	p2 =	slt.u32 s8, $0xFFFFF086  }
0x1c: {  	p1 =	slt.u32 s9, $0xF7A;
	s5 =	simm.s32 @!p2 $0x0  }
0x1d: {  	s5 =	simm.s32 @p1 $0x1;
	p0 =	seq.s32 s7, s2  }
0x1e: {  	s7 =	smul.u32 @!p0 $0xF7A, s2;
	p2 =	seq.s32 @!p0 s5, $0x0  }
0x1f: {  	s9 =	smul.u32 $0xF7A, s1;
	s8 =	simm.s32 @!p0 $0x1BF5;
	p2 =	por !p2, p0  }
0x20: {  	[sflag:s8] =	ssyncset.s32 @!p0 $0xFFFFF086;
	s6 =	sadd.s32 @!p0 s3, s7;
	s7 =	simm.s32 @!p0 $0x108  }
0x21: {  	s3 =	sadd.s32 s3, s9;
	s6 =	sadd.s32 @!p0 $0x88, s6;
	s7 =	simm.s32 @p2 $0x1082  }
0x22: {  	[simem:s7], [sflag:s8] =	dma.local @!p0 [hbm:s6], $0xF7A  }
0x23: {  	s9 =	sor.u32 $0xD0000000, s2;
	s6 =	simm.s32 $0x108;
	_ =	swait.ge @!p0 [sflag:s8], $0x0  }
0x24: {  	s3 =	sadd.s32 $0x88, s3;
	s6 =	simm.s32 @!p1 $0x1082;
	[sflag:s4] =	ssyncset.s32 $0xFFFFF086  }
0x25: {  	[simem:s6], [sflag:s4] =	dma.local [hbm:s3], $0xF7A  }
0x26: {  	[smem:$0x3F9F] =	sst s1;
	(tag) =	ssettag s2;
	_ =	strace s9  }
0x27: {  	s1 =	sld [smem:$0x3FAF]  }
0x28: {  	s2 =	sld [smem:$0x3FB0]  }
0x29: {  	s4 =	sld [smem:$0x3FB2]  }
0x2a: {  	p0 =	seq.s32 s5, $0x0;
	s5 =	sld [smem:$0x3FB3]  }
0x2b: {  	s6 =	sld [smem:$0x3FB4]  }
0x2c: {  	s7 =	sld [smem:$0x3FB5]  }
0x2d: {  	s3 =	simm.s32 $0x108;
	s8 =	sld [smem:$0x3FB6]  }
0x2e: {  	s3 =	simm.s32 @!p0 $0x1082;
	s9 =	sld [smem:$0x3FB7]  }
0x2f: {  	lr =	sadd.s32 s0, s3;
	s0 =	sld [smem:$0x3FAE]  }
0x30: {  	s3 =	sld [smem:$0x3FB1]  }
0x31: {  	[smem:$0x3FBA] =	sst s10  }
0x32: {  	s10 =	sld [smem:$0x3FB8];
	_ =	sdelay $0x3  }
0x33: {  	p0 =	seq.s32 s10, $0x1;
	s10 =	sld [smem:$0x3FBA];
	_ =	sdelay $0x3  }
0x34: {  	[smem:$0x3FBA] =	sst s10  }
0x35: {  	s10 =	sld [smem:$0x3FB9];
	_ =	sdelay $0x3  }
0x36: {  	p1 =	seq.s32 s10, $0x1;
	s10 =	sld [smem:$0x3FBA];
	_ =	sdelay $0x3  }
0x37: {  	[smem:$0x3FBA] =	sst s10  }
0x38: {  	s10 =	sld [smem:$0x3FBB]  }
0x39: {  	_ = 	snop;
	(pc) =	sbr.ind lr, $3  }
0x3a: {  	_ = 	snop  }
0x3b: {  	_ = 	snop  }
0x3c: {  	p2 =	seq.s32 s10, $0x1;
	s10 =	sld [smem:$0x3FBA]  }
0x3d: {  	_ =	shalt  }
0x3e: {  	_ =	shalt  }
0x3f: {  	_ =	shalt  }
0x40: {  	_ =	shalt  }
0x41: {  	_ =	shalt  }
0x42: {  	_ =	shalt  }
0x43: {  	_ =	shalt  }
0x44: {  	_ =	shalt  }
0x45: {  	_ =	shalt  }
0x46: {  	_ =	shalt  }
0x47: {  	_ =	shalt  }
0x48: {  	_ =	shalt  }
0x49: {  	_ =	shalt  }
0x4a: {  	_ =	shalt  }
0x4b: {  	_ =	shalt  }
0x4c: {  	_ =	shalt  }
0x4d: {  	_ =	shalt  }
0x4e: {  	_ =	shalt  }
0x4f: {  	_ =	shalt  }
0x50: {  	_ =	shalt  }
0x51: {  	_ =	shalt  }
0x52: {  	_ =	shalt  }
0x53: {  	_ =	shalt  }
0x54: {  	_ =	shalt  }
0x55: {  	_ =	shalt  }
0x56: {  	_ =	shalt  }
0x57: {  	_ =	shalt  }
0x58: {  	_ =	shalt  }
0x59: {  	_ =	shalt  }
0x5a: {  	_ =	shalt  }
0x5b: {  	_ =	shalt  }
0x5c: {  	_ =	shalt  }
0x5d: {  	_ =	shalt  }
0x5e: {  	_ =	shalt  }
0x5f: {  	_ =	shalt  }
0x60: {  	_ =	shalt  }
0x61: {  	_ =	shalt  }
0x62: {  	_ =	shalt  }
0x63: {  	_ =	shalt  }
0x64: {  	_ =	shalt  }
0x65: {  	_ =	shalt  }
0x66: {  	_ =	shalt  }
0x67: {  	_ =	shalt  }
0x68: {  	_ =	shalt  }
0x69: {  	_ =	shalt  }
0x6a: {  	_ =	shalt  }
0x6b: {  	_ =	shalt  }
0x6c: {  	_ =	shalt  }
0x6d: {  	_ =	shalt  }
0x6e: {  	_ =	shalt  }
0x6f: {  	_ =	shalt  }
0x70: {  	_ =	shalt  }
0x71: {  	_ =	shalt  }
0x72: {  	_ =	shalt  }
0x73: {  	_ =	shalt  }
0x74: {  	_ =	shalt  }
0x75: {  	_ =	shalt  }
0x76: {  	_ =	shalt  }
0x77: {  	_ =	shalt  }
0x78: {  	_ =	shalt  }
0x79: {  	_ =	shalt  }
0x7a: {  	_ =	shalt  }
0x7b: {  	_ =	shalt  }
0x7c: {  	_ =	shalt  }
0x7d: {  	_ =	shalt  }
0x7e: {  	_ =	shalt  }
0x7f: {  	_ =	shalt  }
0x80: {  	_ =	shalt  }
0x81: {  	_ =	shalt  }
0x82: {  	_ =	shalt  }
0x83: {  	_ =	shalt  }
0x84: {  	_ =	shalt  }
0x85: {  	_ =	shalt  }
0x86: {  	_ =	shalt  }
0x87: {  	_ =	shalt  }
.Lfunc_end0:
.L_simem_size_0:
called_computation_lowered:
.L_overlay_start_0:
0x88: {  	s2 =	sld [smem:$0x3FD9]  }
0x89: {  	s3 =	sld [smem:$0x3FFE];
	_ =	sdelay $0x1  }
0x8a: {  	s1 =	srdreg.scid  }
0x8b: {  	s0 =	sand.u32 $0x1, s1  }
0x8c: {  	s17 =	sshll.u32 s0, $0xA;
	s2 =	sadd.s32 s3, s2  }
0x8d: {  	s2 =	sadd.s32 s2, s17  }
0x8e: {  	[smem:$0x3FC6] =	sst s2  }
0x8f: {  	_ = 	snop  }
0x90: {  	s2 =	sld [smem:$0x3FC9];
	(tm) =	ssettm $0x1  }
0x91: {  	s18 =	sld [smem:$0x3FFB];
	_ =	sdelay $0x3  }
0x92: {  	_ =	strace s18  }
0x93: {  	s3 =	sld [smem:$0x3FFC];
	_ =	sdelay $0x3  }
0x94: {  	_ =	strace s3  }
0x95: {  	s3 =	sld [smem:$0x3FFD];
	_ =	sdelay $0x3  }
0x96: {  	_ =	strace s3  }
0x97: {  	_ =	strace $0x8FFFFFFF  }
0x98: {  	s19 =	sld [smem:$0x3FDB];
	_ =	sdelay $0x1  }
0x99: {  	s4 =	simm.s32 $_scs_section_size  }
0x9a: {  	s5 =	simm.s32 $_size__tile_overlayer_lowered;
	s6 =	simm.s32 $_tile_overlayer_lowered  }
0x9b: {  	s22 =	simm.s32 $0x1BFF;
	s21 =	sshll.u32 s6, $0x1;
	s3 =	sadd.s32 s4, s19  }
0x9c: {  	s7 =	simm.s32 $0x0;
	s20 =	sshll.u32 s5, $0x1;
	s5 =	sadd.s32 s21, s3  }
0x9d: {  	[timem:s7], [sflag:s22] =	dma.local [hbm:s5], s20  }
0x9e: {  	_ =	swait.ge [sflag:s22], s20  }
0x9f: {  	s4 =	ssub.s32 $0x0, s20;
	[sflag:s22] =	ssyncset.done $0x0  }
0xa0: {  	[sflag:s22] =	ssyncadd.s32 s4;
	_ =	sdelay $0x1  }
0xa1: {  	s23 =	simm.s32 $0x1B8B  }
0xa2: {  	_ =	swait.ge [sflag:s23], $0x1  }
0xa3: {  	[sflag:s23] =	ssyncset.done $0x0  }
0xa4: {  	s25 =	simm.s32 $0x1B8E;
	s24 =	sld [smem:$0x3FFE];
	[sflag:s23] =	ssyncadd.s32 $0xFFFFFFFF  }
0xa5: {  	s26 =	simm.s32 $execute0_lowered;
	[smem:$0x3FD2] =	sst s25  }
0xa6: {  	s5 =	sshll.u32 s26, $0x1;
	_ =	strace $0x80000046;
	[dreg:$0x1] =	wrdreg $0xFFFFFFFF  }
0xa7: {  	s28 =	simm.s32 $_size_execute0_lowered;
	s3 =	sadd.s32 s3, s5;
	[dreg:$0x0] =	wrdreg $0x0  }
0xa8: {  	s5 =	sshll.u32 s28, $0x1;
	[dreg:$0x2] =	wrdreg s3  }
0xa9: {  	[dreg:$0x3] =	wrdreg s5  }
0xaa: {  	[dreg:$0x4] =	wrdreg $0xC0  }
0xab: {  	_ =	task [dreg:s7], $0x5FFFF  }
0xac: {  	[dreg:$0x1] =	wrdreg $0xFFFFFFFF  }
0xad: {  	[dreg:$0x0] =	wrdreg $0x60  }
0xae: {  	[dreg:$0x2] =	wrdreg s2  }
0xaf: {  	[dreg:$0x3] =	wrdreg s24  }
0xb0: {  	[dreg:$0x4] =	wrdreg $0x82000  }
0xb1: {  	[dreg:$0x5] =	wrdreg $0x9  }
0xb2: {  	_ =	task.clear_ibuf [dreg:s7], $0x6FFFF;
	_ =	strace $0x90000046  }
0xb3: {  	s29 =	simm.s32 $0x9;
	_ =	strace $0x80000048  }
0xb4: {  	_ =	swait.ge [sflag:s29], $0x1  }
0xb5: {  	[sflag:s29] =	ssyncadd.s32 $0xFFFFFFFF  }
0xb6: {  	_ =	strace $0x90000048  }
0xb7: {  	_ =	sfence  }
0xb8: {  	s30 =	sld [smem:$0x0];
	_ =	sdelay $0x2  }
0xb9: {  	s31 =	sshll.u32 s1, $0xD;
	s1 =	sshrl.u32 s1, $0x2  }
0xba: {  	s3 =	sand.u32 $0x4000, s31;
	s1 =	sadd.s32 s1, s30  }
0xbb: {  	s0 =	sor.u32 s3, s0;
	s1 =	sshll.u32 s1, $0x11  }
0xbc: {  	s0 =	sor.u32 s1, s0  }
0xbd: {  	s0 =	sadd.s32 $0x8F2B, s0  }
0xbe: {  	[sflag:s0] =	ssyncadd.remote.s32 $0x1  }
0xbf: {  	_ =	sfence.sel $0xFFFF  }
0xc0: {  	[dreg:$0x0] =	wrdreg $0xFFFFFFFF;
	(pc) =	sbr.abs _section_cstart, $3  }
0xc1: {  	[dreg:$0x1] =	wrdreg $0xFFFFFFFF  }
0xc2: {  	_ =	task.clear_ibuf [dreg:s7], $0x2FFFF;
	_ =	strace $0x9FFFFFFF  }
0xc3: {  	(tm) =	ssettm $0x7FFFFFFF  }
tec
execute0_lowered:
.L_overlay_start_1:
0x0: {  	(tag) =	ssettag $0x1  }
0x1: {  	s0 =	rddreg [dreg:$0x0]  }
0x2: {  	s1 =	rddreg [dreg:$0x1]  }
0x3: {  	s2 =	rddreg [dreg:$0x2]  }
0x4: {  	s3 =	srdreg.scid;
	s8 =	stileid.u32  }
0x5: {  	s6 =	simm.s32 $0x0;
	s4 =	sand.u32 $0x1, s3;
	s21 =	sshll.u32 s8, $0xA  }
0x6: {  	[smem:$0x7FF] =	sst s6;
	s3 =	sadd.s32 $0x400, s1;
	s7 =	sshll.u32 s8, $0xF  }
0x7: {  	s5 =	sshll.u32 s4, $0x9;
	_ =	strace $0x80000047;
	s4 =	ssub.s32 $0x2, s4  }
0x8: {  	s31 =	sadd.s32 s7, s2;
	s5 =	sor.u32 s5, s21;
	s23 =	sshrl.u32 s4, $0x1  }
0x9: {  	s29 =	sshrl.u32 s31, $0x3;
	s22 =	sshll.u32 s5, $0x4;
	s5 =	sshrl.u32 s5, $0x3  }
0xa: {  	s4 =	ssub.s32 s4, s23;
	[smem:$0x7FD] =	sst s29;
	s0 =	sadd.s32 s0, s5  }
0xb: {  	s1 =	sadd.s32 s22, s1;
	s28 =	smax.u32 s4, $0x1;
	[smem:$0x7F8] =	sst s0  }
0xc: {  	s24 =	sadd.s32 $0xF42800, s1;
	[smem:$0x7FB] =	sst s28  }
0xd: {  	s26 =	sshll.u32 s8, $0x6;
	s25 =	sadd.s32 $0xF43800, s1;
	[smem:$0x7F9] =	sst s24  }
0xe: {  	s30 =	sor.u32 $0x1C02, s26;
	s0 =	sor.u32 $0x1C03, s26;
	[smem:$0x7FA] =	sst s25  }
0xf: {  	s2 =	simm.s32 $0x0;
	s1 =	simm.s32 $0x3;
	[smem:$0x7FC] =	sst s0  }
.LBB2_1:
0x10: {  	s0 =	sld [smem:$0x7F8];
	_ =	sdelay $0x1  }
0x11: {  	[smem:$0x7F7] =	sst s2;
	s10 =	simm.s32 $0x0  }
0x12: {  	[tilespmem:s10], [sflag:$0x3] =	stream.linear.gather [hbm4b:s0+s10], $0x200, $0x38;
	[tilespmem:$0xC200] =	vst v63  }
0x13: {  	_ =	swait.ge [sflag:s1], $0x200  }
0x14: {  	[sflag:s1] =	ssyncset.done $0x0  }
0x15: {  	[sflag:s1] =	ssyncadd.s32 $0xFFFFFE00  }
0x16: {  	v0 =	vld [tilespmem:s10+$0x0];
	_ =	sdelay $0x4  }
0x17: {  	v0 =	vshll.u32 v0, $0x4  }
0x18: {  	(v2sf) =	vpush v0, $0xB  }
0x19: {  	(v2sf) =	vpush v0, $0xC  }
0x1a: {  	(v2sf) =	vpush v0, $0xA  }
0x1b: {  	(v2sf) =	vpush v0, $0xD  }
0x1c: {  	(v2sf) =	vpush v0, $0x9  }
0x1d: {  	(v2sf) =	vpush v0, $0xE  }
0x1e: {  	(v2sf) =	vpush v0, $0xF  }
0x1f: {  	(v2sf) =	vpush v0, $0x8  }
0x20: {  	s9 =	simm.s32 $0x0;
	s11 =	simm.s32 $0x0;
	(v2sf) =	vpush v0, $0x7  }
0x21: {  	s12 =	sand.u32 $0xF0, s9;
	[dreg:$0x4] =	wrdreg s11;
	(v2sf) =	vpush v0, $0x6  }
0x22: {  	v1 =	vld [tilespmem:s12+$0x100];
	(v2sf) =	vpush v0, $0x5  }
0x23: {  	(v2sf) =	vpush v0, $0x2  }
0x24: {  	(v2sf) =	vpush v0, $0x3  }
0x25: {  	(v2sf) =	vpush v0, $0x4  }
0x26: {  	(v2sf) =	vpush v0, $0x0  }
0x27: {  	v1 =	vshll.u32 v1, $0x4;
	s18 =	spop (v2sf);
	(v2sf) =	vpush v0, $0x1  }
0x28: {  	s19 =	spop (v2sf);
	(v2sf) =	vpush v1, $0xA  }
0x29: {  	s21 =	spop (v2sf);
	(v2sf) =	vpush v1, $0x8  }
0x2a: {  	s15 =	spop (v2sf);
	(v2sf) =	vpush v1, $0x4  }
0x2b: {  	s17 =	spop (v2sf);
	(v2sf) =	vpush v1, $0x2  }
0x2c: {  	s20 =	spop (v2sf);
	(v2sf) =	vpush v1, $0xC  }
0x2d: {  	s16 =	spop (v2sf);
	(v2sf) =	vpush v1, $0x3  }
0x2e: {  	s14 =	spop (v2sf);
	(v2sf) =	vpush v1, $0x0  }
0x2f: {  	s9 =	spop (v2sf);
	(v2sf) =	vpush v1, $0x1  }
0x30: {  	s8 =	spop (v2sf);
	(v2sf) =	vpush v1, $0x7  }
0x31: {  	s4 =	spop (v2sf)  }
0x32: {  	s22 =	spop (v2sf)  }
0x33: {  	s11 =	spop (v2sf)  }
0x34: {  	s24 =	sadd.s32 $0x0, s31;
	s21 =	sand.u32 $0x1FFFFFF0, s21;
	(v2sf) =	vpush v1, $0xF;
	s7 =	spop (v2sf)  }
0x35: {  	s15 =	sand.u32 $0x1FFFFFF0, s15;
	s17 =	sand.u32 $0x1FFFFFF0, s17;
	(v2sf) =	vpush v1, $0x5;
	s2 =	spop (v2sf)  }
0x36: {  	s15 =	sadd.s32 s3, s15;
	s20 =	sand.u32 $0x1FFFFFF0, s20;
	s23 =	spop (v2sf)  }
0x37: {  	s9 =	sand.u32 $0x1FFFFFF0, s9;
	s8 =	sand.u32 $0x1FFFFFF0, s8;
	s5 =	spop (v2sf)  }
0x38: {  	s4 =	sand.u32 $0x1FFFFFF0, s4;
	s8 =	sadd.s32 s3, s8;
	s6 =	spop (v2sf)  }
0x39: {  	s4 =	sadd.s32 s3, s4;
	s11 =	sand.u32 $0x1FFFFFF0, s11;
	s12 =	spop (v2sf)  }
0x3a: {  	s11 =	sadd.s32 s3, s11;
	s7 =	sand.u32 $0x1FFFFFF0, s7;
	s25 =	spop (v2sf)  }
0x3b: {  	s2 =	sand.u32 $0x1FFFFFF0, s2;
	s7 =	sadd.s32 s3, s7;
	s1 =	spop (v2sf)  }
0x3c: {  	s2 =	sadd.s32 s3, s2;
	s23 =	sand.u32 $0x1FFFFFF0, s23;
	s26 =	spop (v2sf)  }
0x3d: {  	s23 =	sadd.s32 s3, s23;
	s6 =	sand.u32 $0x1FFFFFF0, s6;
	s13 =	spop (v2sf)  }
0x3e: {  	s12 =	sand.u32 $0x1FFFFFF0, s12;
	s0 =	sand.u32 $0x1FFFFFF0, s13;
	s28 =	spop (v2sf)  }
0x3f: {  	(v2sf) =	vpush v1, $0x6;
	s13 =	sshrl.u32 s24, $0x3;
	s29 =	sadd.s32 s3, s0;
	s0 =	spop (v2sf)  }
0x40: {  	[spmem:s13], [sflag:s30] =	dma.local [hbm:s29], $0x10  }
0x41: {  	s12 =	sadd.s32 s3, s12;
	s28 =	sand.u32 $0x1FFFFFF0, s28;
	s29 =	simm.s32 $0x200  }
0x42: {  	[tilespmem:s29], [sflag:$0x1] =	stream.linear.gather [hbm4b:s2+s10], $0x80, $0x38;
	[tilespmem:$0xC200] =	vst v63  }
0x43: {  	s28 =	sadd.s32 s3, s28;
	s29 =	sadd.s32 $0x80, s24;
	s2 =	spop (v2sf)  }
0x44: {  	s0 =	sand.u32 $0x1FFFFFF0, s0;
	(v2sf) =	vpush v1, $0x9;
	s29 =	sshrl.u32 s29, $0x3;
	s13 =	spop (v2sf)  }
0x45: {  	[spmem:s29], [sflag:s30] =	dma.local [hbm:s28], $0x10  }
0x46: {  	s1 =	sand.u32 $0x1FFFFFF0, s1;
	s0 =	sadd.s32 s3, s0;
	s28 =	simm.s32 $0x280  }
0x47: {  	[tilespmem:s28], [sflag:$0x1] =	stream.linear.gather [hbm4b:s23+s10], $0x80, $0x38;
	[tilespmem:$0xC200] =	vst v63  }
0x48: {  	s29 =	sadd.s32 s3, s20;
	s20 =	sadd.s32 $0x180, s24;
	s23 =	sand.u32 $0x1FFFFFF0, s18  }
0x49: {  	s28 =	sand.u32 $0x1FFFFFF0, s19;
	s19 =	sadd.s32 $0x100, s24;
	[dreg:$0x7] =	wrdreg s21  }
0x4a: {  	s21 =	sand.u32 $0x1FFFFFF0, s25;
	s18 =	sshrl.u32 s19, $0x3;
	s25 =	sand.u32 $0x1FFFFFF0, s22  }
0x4b: {  	(v2sf) =	vpush v1, $0xB;
	s23 =	sadd.s32 s3, s23;
	s19 =	sadd.s32 s3, s21;
	s22 =	sadd.s32 s3, s25  }
0x4c: {  	[spmem:s18], [sflag:s30] =	dma.local [hbm:s19], $0x10  }
0x4d: {  	s25 =	simm.s32 $0x300;
	s21 =	sand.u32 $0x1FFFFFF0, s14;
	s18 =	simm.s32 $0x10  }
0x4e: {  	[tilespmem:s25], [sflag:$0x1] =	stream.linear.gather [hbm4b:s22+s10], $0x80, $0x38;
	[tilespmem:$0xC200] =	vst v63  }
0x4f: {  	s19 =	simm.s32 $0x2000;
	s22 =	sand.u32 $0x1FFFFFF0, s26;
	s25 =	sshrl.u32 s20, $0x3  }
0x50: {  	(v2sf) =	vpush v1, $0xD;
	s20 =	sadd.s32 s3, s28;
	[dreg:$0x5] =	wrdreg s15;
	s26 =	sadd.s32 s3, s22  }
0x51: {  	[spmem:s25], [sflag:s30] =	dma.local [hbm:s26], $0x10  }
0x52: {  	s28 =	simm.s32 $0x0;
	s15 =	sand.u32 $0x1FFFFFF0, s16;
	[dreg:$0x8] =	wrdreg s20  }
0x53: {  	s16 =	sadd.s32 $0x200, s24;
	s22 =	sadd.s32 s3, s15;
	[dreg:$0x9] =	wrdreg s23  }
0x54: {  	s25 =	sadd.s32 s3, s17;
	s26 =	simm.s32 $0x380;
	s15 =	sadd.s32 $0x280, s24  }
0x55: {  	s14 =	sshrl.u32 s16, $0x3;
	s17 =	simm.s32 $0x400;
	[dreg:$0x6] =	wrdreg s22  }
0x56: {  	s20 =	sand.u32 $0x1FFFFFF0, s13;
	s16 =	sadd.s32 $0x400, s24;
	[dreg:$0xa] =	wrdreg s25  }
0x57: {  	s22 =	sshrl.u32 s15, $0x3;
	s23 =	sadd.s32 s3, s20;
	s15 =	simm.s32 $0x480  }
0x58: {  	(v2sf) =	vpush v1, $0xE;
	[tilespmem:s26], [sflag:$0x1] =	stream.linear.gather [hbm4b:s11+s10], $0x80, $0x38;
	[tilespmem:$0xC200] =	vst v63  }
0x59: {  	[spmem:s14], [sflag:s30] =	dma.local [hbm:s12], $0x10  }
0x5a: {  	s26 =	sadd.s32 $0x380, s24;
	s12 =	sadd.s32 $0x300, s24;
	s14 =	sand.u32 $0x1FFFFFF0, s2  }
0x5b: {  	[tilespmem:s17], [sflag:$0x1] =	stream.linear.gather [hbm4b:s7+s10], $0x80, $0x38;
	[tilespmem:$0xC200] =	vst v63  }
0x5c: {  	s25 =	spop (v2sf);
	s12 =	sshrl.u32 s12, $0x3;
	s7 =	sshrl.u32 s26, $0x3  }
0x5d: {  	[spmem:s22], [sflag:s30] =	dma.local [hbm:s23], $0x10  }
0x5e: {  	s26 =	sadd.s32 s3, s9;
	s9 =	sadd.s32 $0x700, s24;
	s17 =	sand.u32 $0x1FFFFFF0, s25  }
0x5f: {  	s22 =	sadd.s32 $0x500, s24;
	s23 =	simm.s32 $0x500;
	s25 =	sadd.s32 $0x580, s24  }
0x60: {  	[tilespmem:s15], [sflag:$0x1] =	stream.linear.gather [hbm4b:s4+s10], $0x80, $0x38;
	[tilespmem:$0xC200] =	vst v63  }
0x61: {  	s15 =	sadd.s32 $0x480, s24;
	s20 =	spop (v2sf);
	s11 =	sadd.s32 s3, s17  }
0x62: {  	s4 =	sshrl.u32 s16, $0x3;
	s2 =	sshrl.u32 s22, $0x3;
	s16 =	sadd.s32 s3, s6  }
0x63: {  	[spmem:s12], [sflag:s30] =	dma.local [hbm:s11], $0x10  }
0x64: {  	s22 =	simm.s32 $0x680;
	s11 =	sshrl.u32 s25, $0x3;
	s12 =	sadd.s32 $0x780, s24  }
0x65: {  	[tilespmem:s23], [sflag:$0x1] =	stream.linear.gather [hbm4b:s8+s10], $0x80, $0x38;
	[tilespmem:$0xC200] =	vst v63  }
0x66: {  	[spmem:s7], [sflag:s30] =	dma.local [hbm:s0], $0x10  }
0x67: {  	s25 =	sadd.s32 s3, s21;
	s17 =	sand.u32 $0x1FFFFFF0, s20;
	[dreg:$0xc] =	wrdreg s11  }
0x68: {  	s20 =	simm.s32 $0x700;
	s10 =	sadd.s32 $0x600, s24;
	[dreg:$0x10] =	wrdreg s4  }
0x69: {  	s8 =	simm.s32 $0x980;
	s23 =	simm.s32 $0x900;
	[dreg:$0xb] =	wrdreg s20  }
0x6a: {  	s13 =	sshrl.u32 s10, $0x3;
	s0 =	sshrl.u32 s12, $0x3;
	[dreg:$0xe] =	wrdreg s22  }
0x6b: {  	s11 =	sadd.s32 s3, s14;
	s12 =	simm.s32 $0x780;
	[dreg:$0xf] =	wrdreg s23  }
0x6c: {  	s20 =	simm.s32 $0x580;
	[dreg:$0xd] =	wrdreg s0;
	s0 =	sadd.s32 s3, s17  }
0x6d: {  	s17 =	sand.u32 $0x1FFFFFF0, s5;
	s7 =	spop (v2sf);
	s5 =	sshrl.u32 s15, $0x3  }
0x6e: {  	s15 =	simm.s32 $0x880;
	s21 =	sand.u32 $0x1FFFFFF0, s7;
	s22 =	spop (v2sf)  }
.LBB2_2:
0x6f: {  	v0 =	vld [tilespmem:s18+$0x0]  }
0x70: {  	s6 =	rddreg [dreg:$0x4]  }
0x71: {  	s10 =	simm.s32 $0x0;
	s4 =	rddreg [dreg:$0x7]  }
0x72: {  	[tilespmem:s20], [sflag:$0x1] =	stream.linear.gather [hbm4b:s26+s10], $0x80, $0x38;
	[tilespmem:$0xC200] =	vst v63  }
0x73: {  	s23 =	spop (v2sf);
	s7 =	rddreg [dreg:$0x10];
	s26 =	sadd.s32 $0x600, s28  }
0x74: {  	[spmem:s7], [sflag:s30] =	dma.local [hbm:s16], $0x10;
	v1 =	vshll.u32 v0, $0x4  }
0x75: {  	[tilespmem:s26], [sflag:$0x1] =	stream.linear.gather [hbm4b:s25+s10], $0x80, $0x38;
	(v2sf) =	vpush v1, $0xB;
	[tilespmem:$0xC200] =	vst v63  }
0x76: {  	[spmem:s5], [sflag:s30] =	dma.local [hbm:s0], $0x10  }
0x77: {  	s0 =	rddreg [dreg:$0xa]  }
0x78: {  	s17 =	sadd.s32 s3, s17;
	s21 =	sadd.s32 s3, s21;
	(v2sf) =	vpush v1, $0xC;
	s16 =	rddreg [dreg:$0xe]  }
0x79: {  	[tilespmem:s16], [sflag:$0x1] =	stream.linear.gather [hbm4b:s0+s10], $0x80, $0x38;
	(v2sf) =	vpush v1, $0xA;
	[tilespmem:$0xC200] =	vst v63  }
0x7a: {  	[spmem:s2], [sflag:s30] =	dma.local [hbm:s17], $0x10  }
0x7b: {  	s1 =	sadd.s32 s3, s1;
	s22 =	sand.u32 $0x1FFFFFF0, s22;
	(v2sf) =	vpush v1, $0xD;
	s17 =	rddreg [dreg:$0xb]  }
0x7c: {  	s24 =	sadd.s32 $0x680, s24;
	s14 =	sadd.s32 s3, s4;
	s26 =	rddreg [dreg:$0xc];
	(v2sf) =	vpush v1, $0x9  }
0x7d: {  	[tilespmem:s17], [sflag:$0x1] =	stream.linear.gather [hbm4b:s14+s10], $0x80, $0x38;
	(v2sf) =	vpush v1, $0xE;
	[tilespmem:$0xC200] =	vst v63  }
0x7e: {  	[spmem:s26], [sflag:s30] =	dma.local [hbm:s21], $0x10  }
0x7f: {  	s20 =	sadd.s32 $0x800, s28;
	s23 =	sand.u32 $0x1FFFFFF0, s23;
	(v2sf) =	vpush v1, $0xF;
	s4 =	rddreg [dreg:$0x9]  }
0x80: {  	[tilespmem:s12], [sflag:$0x1] =	stream.linear.gather [hbm4b:s4+s10], $0x80, $0x38;
	(v2sf) =	vpush v1, $0x8;
	[tilespmem:$0xC200] =	vst v63  }
0x81: {  	[spmem:s13], [sflag:s30] =	dma.local [hbm:s1], $0x10  }
0x82: {  	s22 =	sadd.s32 s3, s22;
	s24 =	sshrl.u32 s24, $0x3;
	s1 =	rddreg [dreg:$0x8]  }
0x83: {  	(v2sf) =	vpush v1, $0x7;
	[tilespmem:s20], [sflag:$0x1] =	stream.linear.gather [hbm4b:s1+s10], $0x80, $0x38;
	[tilespmem:$0xC200] =	vst v63  }
0x84: {  	[spmem:s24], [sflag:s30] =	dma.local [hbm:s22], $0x10  }
0x85: {  	s9 =	sshrl.u32 s9, $0x3;
	s25 =	sadd.s32 s3, s23;
	s0 =	rddreg [dreg:$0x5]  }
0x86: {  	[tilespmem:s15], [sflag:$0x1] =	stream.linear.gather [hbm4b:s0+s10], $0x80, $0x38;
	[tilespmem:$0xC200] =	vst v63  }
0x87: {  	[spmem:s9], [sflag:s30] =	dma.local [hbm:s25], $0x10  }
0x88: {  	s6 =	sadd.s32 $0x10, s6;
	s7 =	rddreg [dreg:$0xf]  }
0x89: {  	p0 =	slt.u32 s6, $0xF0;
	s13 =	smov.u32 s19;
	s9 =	rddreg [dreg:$0xd]  }
0x8a: {  	(v2sf) =	vpush v1, $0x6;
	[tilespmem:s7], [sflag:$0x1] =	stream.linear.gather [hbm4b:s29+s10], $0x80, $0x38;
	[tilespmem:$0xC200] =	vst v63  }
0x8b: {  	[spmem:s9], [sflag:s30] =	dma.local [hbm:s11], $0x10  }
0x8c: {  	s14 =	sadd.s32 $0x2000, s19;
	s28 =	sshra.s32 s13, $0x2;
	[dreg:$0x4] =	wrdreg s6  }
0x8d: {  	s1 =	sadd.s32 $0x280, s28;
	s0 =	rddreg [dreg:$0x6];
	s12 =	spop (v2sf)  }
0x8e: {  	[tilespmem:s8], [sflag:$0x1] =	stream.linear.gather [hbm4b:s0+s10], $0x80, $0x38;
	[tilespmem:$0xC200] =	vst v63  }
0x8f: {  	s6 =	sand.u32 $0xF0, s6;
	[dreg:$0x16] =	wrdreg s1;
	s15 =	spop (v2sf)  }
0x90: {  	s0 =	sand.u32 $0x1FFFFFF0, s12;
	s8 =	sadd.s32 $0x700, s28;
	s2 =	sand.u32 $0x1FFFFFF0, s15  }
0x91: {  	s16 =	spop (v2sf);
	s0 =	sadd.s32 s3, s0;
	[dreg:$0xb] =	wrdreg s8  }
0x92: {  	s4 =	sand.u32 $0x1FFFFFF0, s16;
	s17 =	spop (v2sf);
	[dreg:$0x9] =	wrdreg s0  }
0x93: {  	s2 =	sadd.s32 s3, s2;
	[dreg:$0x7] =	wrdreg s4;
	s4 =	sand.u32 $0x1FFFFFF0, s17  }
0x94: {  	(v2sf) =	vpush v1, $0x5;
	s20 =	spop (v2sf);
	[dreg:$0x8] =	wrdreg s2;
	s2 =	sadd.s32 $0x980, s28  }
0x95: {  	s5 =	sand.u32 $0x1FFFFFF0, s20;
	s4 =	sadd.s32 s3, s4;
	[dreg:$0x12] =	wrdreg s2  }
0x96: {  	v63 =	vld [tilespmem:s6+$0x100];
	s7 =	spop (v2sf);
	[dreg:$0x5] =	wrdreg s4;
	s6 =	sadd.s32 s3, s5  }
0x97: {  	s21 =	sand.u32 $0x1FFFFFF0, s7;
	s7 =	sadd.s32 $0x780, s28;
	[dreg:$0xa] =	wrdreg s6  }
0x98: {  	s22 =	spop (v2sf);
	s4 =	sadd.s32 s3, s21;
	[dreg:$0x15] =	wrdreg s7  }
0x99: {  	(v2sf) =	vpush v1, $0x2;
	s23 =	sand.u32 $0x1FFFFFF0, s22;
	s24 =	spop (v2sf);
	[dreg:$0x11] =	wrdreg s4  }
0x9a: {  	(v2sf) =	vpush v1, $0x3;
	s11 =	sand.u32 $0x1FFFFFF0, s24;
	s25 =	sadd.s32 s3, s23;
	s26 =	spop (v2sf)  }
0x9b: {  	(v2sf) =	vpush v1, $0x4;
	s4 =	sadd.s32 $0x200, s28;
	s24 =	sadd.s32 s28, s31;
	[dreg:$0x6] =	wrdreg s25  }
0x9c: {  	(v2sf) =	vpush v1, $0x0;
	s1 =	sand.u32 $0x1FFFFFF0, s26;
	[dreg:$0x17] =	wrdreg s4;
	s19 =	sadd.s32 $0x480, s24  }
0x9d: {  	s12 =	sadd.s32 $0x80, s24;
	s20 =	sadd.s32 $0x500, s24;
	[dreg:$0x13] =	wrdreg s19  }
0x9e: {  	s16 =	sadd.s32 $0x180, s24;
	s26 =	sadd.s32 $0x680, s28;
	[dreg:$0x14] =	wrdreg s20  }
0x9f: {  	v0 =	vshll.u32 v63, $0x4;
	(v2sf) =	vpush v1, $0x1;
	s13 =	sadd.s32 $0x100, s24;
	s6 =	sshrl.u32 s16, $0x3;
	[dreg:$0xe] =	wrdreg s26  }
0xa0: {  	s2 =	sshrl.u32 s13, $0x3;
	[dreg:$0x18] =	wrdreg s6;
	s9 =	spop (v2sf);
	(v2sf) =	vpush v0, $0xA  }
0xa1: {  	s21 =	sadd.s32 $0x580, s24;
	s22 =	sshrl.u32 s12, $0x3;
	[dreg:$0x1b] =	wrdreg s2;
	(v2sf) =	vpush v0, $0x8  }
0xa2: {  	s17 =	sadd.s32 $0x400, s24;
	s12 =	sshrl.u32 s21, $0x3;
	[dreg:$0x1e] =	wrdreg s22;
	(v2sf) =	vpush v0, $0x4  }
0xa3: {  	s13 =	sshrl.u32 s17, $0x3;
	[dreg:$0xc] =	wrdreg s12;
	s15 =	spop (v2sf);
	(v2sf) =	vpush v0, $0x2  }
0xa4: {  	s0 =	sadd.s32 $0x280, s24;
	s17 =	sadd.s32 $0x500, s28;
	[dreg:$0x10] =	wrdreg s13;
	(v2sf) =	vpush v0, $0xC  }
0xa5: {  	s23 =	sadd.s32 $0x600, s24;
	s0 =	sshrl.u32 s0, $0x3;
	[dreg:$0x1a] =	wrdreg s17;
	(v2sf) =	vpush v0, $0x3  }
0xa6: {  	s2 =	sshrl.u32 s23, $0x3;
	[smem:$0x7F4] =	sst s0;
	(v2sf) =	vpush v0, $0x0  }
0xa7: {  	s18 =	sadd.s32 $0x10, s18;
	s23 =	sadd.s32 $0x480, s28;
	[smem:$0x7F2] =	sst s2  }
0xa8: {  	[dreg:$0x1d] =	wrdreg s23;
	s7 =	sand.u32 $0x1FFFFFF0, s9;
	s25 =	spop (v2sf);
	(v2sf) =	vpush v0, $0x1  }
0xa9: {  	s9 =	sadd.s32 $0x300, s24;
	s8 =	sadd.s32 s3, s7;
	s16 =	spop (v2sf);
	(v2sf) =	vpush v0, $0x7  }
0xaa: {  	s12 =	sshrl.u32 s9, $0x3;
	[dreg:$0x1c] =	wrdreg s8;
	s20 =	spop (v2sf)  }
0xab: {  	s4 =	sand.u32 $0x1FFFFFF0, s15;
	s15 =	sadd.s32 $0x380, s24;
	s2 =	spop (v2sf);
	(v2sf) =	vpush v0, $0xF  }
0xac: {  	[dreg:$0x1f] =	wrdreg s12;
	s19 =	sshrl.u32 s15, $0x3;
	s5 =	sand.u32 $0x1FFFFFF0, s25;
	(v2sf) =	vpush v0, $0x5  }
0xad: {  	s26 =	sadd.s32 s3, s1;
	[dreg:$0x19] =	wrdreg s19;
	s6 =	sadd.s32 s3, s5  }
0xae: {  	s5 =	sadd.s32 s3, s4;
	s4 =	sadd.s32 $0x780, s24;
	s13 =	spop (v2sf)  }
0xaf: {  	[smem:$0x7F3] =	sst s6;
	s21 =	sand.u32 $0x1FFFFFF0, s16;
	s16 =	spop (v2sf)  }
0xb0: {  	s4 =	sshrl.u32 s4, $0x3;
	[smem:$0x7F5] =	sst s16;
	s16 =	spop (v2sf)  }
0xb1: {  	s25 =	sshrl.u32 s24, $0x3;
	[dreg:$0xd] =	wrdreg s4;
	s12 =	spop (v2sf)  }
0xb2: {  	s1 =	sand.u32 $0x1FFFFFF0, s2;
	s2 =	smov.u32 s18;
	s18 =	spop (v2sf)  }
0xb3: {  	s6 =	sand.u32 $0x1FFFFFF0, s20;
	s29 =	sadd.s32 s3, s21;
	s21 =	spop (v2sf)  }
0xb4: {  	s20 =	sadd.s32 $0x900, s28;
	s7 =	sand.u32 $0x1FFFFFF0, s13;
	s0 =	spop (v2sf)  }
0xb5: {  	[dreg:$0xf] =	wrdreg s20;
	s13 =	sadd.s32 s3, s7;
	s7 =	spop (v2sf)  }
0xb6: {  	s23 =	sadd.s32 s3, s6;
	[smem:$0x7F6] =	sst s21;
	s21 =	sand.u32 $0x1FFFFFF0, s7  }
0xb7: {  	s6 =	sand.u32 $0x1FFFFFF0, s0;
	s0 =	spop (v2sf);
	s4 =	sadd.s32 s3, s21  }
0xb8: {  	(v2sf) =	vpush v0, $0x6;
	s7 =	sand.u32 $0x1FFFFFF0, s0;
	s0 =	smov.u32 s31;
	s31 =	spop (v2sf)  }
0xb9: {  	[spmem:s25], [sflag:s30] =	dma.local [hbm:s4], $0x10  }
0xba: {  	s17 =	sadd.s32 s3, s1;
	s21 =	sand.u32 $0x1FFFFFF0, s18;
	s18 =	spop (v2sf)  }
0xbb: {  	s25 =	sadd.s32 s3, s11;
	s4 =	sadd.s32 s3, s21;
	s21 =	spop (v2sf)  }
0xbc: {  	s11 =	sand.u32 $0x1FFFFFF0, s18;
	s18 =	sand.u32 $0x1FFFFFF0, s21;
	s21 =	rddreg [dreg:$0x17]  }
0xbd: {  	[tilespmem:s21], [sflag:$0x1] =	stream.linear.gather [hbm4b:s17+s10], $0x80, $0x38;
	[tilespmem:$0xC200] =	vst v63  }
0xbe: {  	s7 =	sadd.s32 s3, s7;
	(v2sf) =	vpush v0, $0x9;
	s21 =	rddreg [dreg:$0x1e]  }
0xbf: {  	[spmem:s21], [sflag:s30] =	dma.local [hbm:s7], $0x10  }
0xc0: {  	s7 =	rddreg [dreg:$0x16]  }
0xc1: {  	s21 =	rddreg [dreg:$0x1b]  }
0xc2: {  	[tilespmem:s7], [sflag:$0x1] =	stream.linear.gather [hbm4b:s13+s10], $0x80, $0x38;
	[tilespmem:$0xC200] =	vst v63  }
0xc3: {  	(v2sf) =	vpush v0, $0xB;
	s13 =	sld [smem:$0x7F2]  }
0xc4: {  	[spmem:s21], [sflag:s30] =	dma.local [hbm:s4], $0x10  }
0xc5: {  	s4 =	sld [smem:$0x7F3]  }
0xc6: {  	s19 =	sadd.s32 $0x200, s24  }
0xc7: {  	s8 =	sshrl.u32 s19, $0x3;
	s19 =	sadd.s32 $0x380, s28;
	s1 =	sadd.s32 $0x300, s28  }
0xc8: {  	[tilespmem:s1], [sflag:$0x1] =	stream.linear.gather [hbm4b:s4+s10], $0x80, $0x38;
	[tilespmem:$0xC200] =	vst v63  }
0xc9: {  	s12 =	sand.u32 $0x1FFFFFF0, s12;
	s6 =	sadd.s32 s3, s6;
	(v2sf) =	vpush v0, $0xD;
	s4 =	rddreg [dreg:$0x18]  }
0xca: {  	[spmem:s4], [sflag:s30] =	dma.local [hbm:s6], $0x10  }
0xcb: {  	[tilespmem:s19], [sflag:$0x1] =	stream.linear.gather [hbm4b:s29+s10], $0x80, $0x38;
	[tilespmem:$0xC200] =	vst v63  }
0xcc: {  	s12 =	sadd.s32 s3, s12;
	s29 =	rddreg [dreg:$0x11];
	(v2sf) =	vpush v0, $0xE  }
0xcd: {  	[spmem:s8], [sflag:s30] =	dma.local [hbm:s12], $0x10  }
0xce: {  	s22 =	sadd.s32 $0x400, s28;
	s12 =	rddreg [dreg:$0x15]  }
0xcf: {  	s7 =	sadd.s32 s3, s18;
	s19 =	smov.u32 s14;
	s21 =	sld [smem:$0x7F4]  }
0xd0: {  	[tilespmem:s22], [sflag:$0x1] =	stream.linear.gather [hbm4b:s23+s10], $0x80, $0x38;
	[tilespmem:$0xC200] =	vst v63  }
0xd1: {  	s14 =	sand.u32 $0x1FFFFFF0, s31;
	s8 =	rddreg [dreg:$0x12];
	s17 =	spop (v2sf)  }
0xd2: {  	[spmem:s21], [sflag:s30] =	dma.local [hbm:s7], $0x10  }
0xd3: {  	s31 =	smov.u32 s0;
	s22 =	sand.u32 $0x1FFFFFF0, s17;
	s0 =	rddreg [dreg:$0x1d]  }
0xd4: {  	s1 =	sadd.s32 s3, s22;
	s23 =	spop (v2sf);
	s7 =	rddreg [dreg:$0x1f]  }
0xd5: {  	[tilespmem:s0], [sflag:$0x1] =	stream.linear.gather [hbm4b:s5+s10], $0x80, $0x38;
	[tilespmem:$0xC200] =	vst v63  }
0xd6: {  	[spmem:s7], [sflag:s30] =	dma.local [hbm:s1], $0x10  }
0xd7: {  	s0 =	rddreg [dreg:$0x1a]  }
0xd8: {  	s9 =	sadd.s32 $0x700, s24;
	s15 =	sadd.s32 $0x880, s28;
	s5 =	rddreg [dreg:$0x1c]  }
0xd9: {  	s18 =	smov.u32 s2;
	s2 =	sadd.s32 s3, s14;
	s14 =	rddreg [dreg:$0x19]  }
0xda: {  	[tilespmem:s0], [sflag:$0x1] =	stream.linear.gather [hbm4b:s5+s10], $0x80, $0x38;
	[tilespmem:$0xC200] =	vst v63  }
0xdb: {  	[spmem:s14], [sflag:s30] =	dma.local [hbm:s2], $0x10  }
0xdc: {  	s20 =	sadd.s32 $0x580, s28;
	s11 =	sadd.s32 s3, s11;
	s1 =	sld [smem:$0x7F5]  }
.Ltmp0:
0xdd: {  	s6 =	sand.u32 $0x1FFFFFF0, s23;
	s21 =	rddreg [dreg:$0x13];
	(pc) =	sbr.rel @p0 .LBB2_2-.Ltmp0, $4  }
0xde: {  	s4 =	sand.u32 $0x1FFFFFF0, s16;
	s0 =	sadd.s32 s3, s6;
	s23 =	sld [smem:$0x7F6]  }
0xdf: {  	s16 =	spop (v2sf);
	s22 =	rddreg [dreg:$0x14];
	s5 =	sshrl.u32 s21, $0x3  }
0xe0: {  	s2 =	sshrl.u32 s22, $0x3;
	s21 =	sand.u32 $0x1FFFFFF0, s16;
	s16 =	sadd.s32 s3, s4  }
0xe1: {  	s22 =	spop (v2sf);
	s17 =	sand.u32 $0x1FFFFFF0, s1;
	s1 =	sand.u32 $0x1FFFFFF0, s23  }
0xe2: {  	s7 =	simm.s32 $0x0  }
0xe3: {  	[tilespmem:s20], [sflag:$0x1] =	stream.linear.gather [hbm4b:s26+s7], $0x80, $0x38;
	[tilespmem:$0xC200] =	vst v63  }
0xe4: {  	s4 =	spop (v2sf);
	s26 =	sadd.s32 $0x600, s28;
	s6 =	rddreg [dreg:$0x10]  }
0xe5: {  	[spmem:s6], [sflag:s30] =	dma.local [hbm:s16], $0x10  }
0xe6: {  	[tilespmem:s26], [sflag:$0x1] =	stream.linear.gather [hbm4b:s25+s7], $0x80, $0x38;
	[tilespmem:$0xC200] =	vst v63  }
0xe7: {  	[spmem:s5], [sflag:s30] =	dma.local [hbm:s0], $0x10  }
0xe8: {  	s0 =	rddreg [dreg:$0xa]  }
0xe9: {  	s6 =	sadd.s32 s3, s17;
	s5 =	rddreg [dreg:$0xe]  }
0xea: {  	[tilespmem:s5], [sflag:$0x1] =	stream.linear.gather [hbm4b:s0+s7], $0x80, $0x38;
	[tilespmem:$0xC200] =	vst v63  }
0xeb: {  	[spmem:s2], [sflag:s30] =	dma.local [hbm:s6], $0x10  }
0xec: {  	s0 =	rddreg [dreg:$0x7]  }
0xed: {  	s2 =	rddreg [dreg:$0xb];
	s0 =	sadd.s32 s3, s0  }
0xee: {  	[tilespmem:s2], [sflag:$0x1] =	stream.linear.gather [hbm4b:s0+s7], $0x80, $0x38;
	[tilespmem:$0xC200] =	vst v63  }
0xef: {  	s10 =	sadd.s32 s3, s21;
	s2 =	rddreg [dreg:$0xc]  }
0xf0: {  	[spmem:s2], [sflag:s30] =	dma.local [hbm:s10], $0x10  }
0xf1: {  	s16 =	sand.u32 $0x1FFFFFF0, s22;
	s0 =	rddreg [dreg:$0x9]  }
0xf2: {  	[tilespmem:s12], [sflag:$0x1] =	stream.linear.gather [hbm4b:s0+s7], $0x80, $0x38;
	[tilespmem:$0xC200] =	vst v63  }
0xf3: {  	s17 =	sadd.s32 $0x680, s24;
	s12 =	sadd.s32 s3, s1;
	s0 =	sadd.s32 s3, s16  }
0xf4: {  	[spmem:s13], [sflag:s30] =	dma.local [hbm:s12], $0x10  }
0xf5: {  	s1 =	sshrl.u32 s17, $0x3;
	s13 =	sadd.s32 $0x800, s28;
	s14 =	rddreg [dreg:$0x8]  }
0xf6: {  	[tilespmem:s13], [sflag:$0x1] =	stream.linear.gather [hbm4b:s14+s7], $0x80, $0x38;
	[tilespmem:$0xC200] =	vst v63  }
0xf7: {  	[spmem:s1], [sflag:s30] =	dma.local [hbm:s0], $0x10  }
0xf8: {  	s18 =	sand.u32 $0x1FFFFFF0, s4;
	s0 =	rddreg [dreg:$0x5]  }
0xf9: {  	[tilespmem:s15], [sflag:$0x1] =	stream.linear.gather [hbm4b:s0+s7], $0x80, $0x38;
	[tilespmem:$0xC200] =	vst v63  }
0xfa: {  	s19 =	sshrl.u32 s9, $0x3;
	s0 =	sadd.s32 s3, s18  }
0xfb: {  	[spmem:s19], [sflag:s30] =	dma.local [hbm:s0], $0x10  }
0xfc: {  	s0 =	rddreg [dreg:$0xf]  }
0xfd: {  	[tilespmem:s0], [sflag:$0x1] =	stream.linear.gather [hbm4b:s29+s7], $0x80, $0x38;
	[tilespmem:$0xC200] =	vst v63  }
0xfe: {  	s0 =	rddreg [dreg:$0xd]  }
0xff: {  	[spmem:s0], [sflag:s30] =	dma.local [hbm:s11], $0x10  }
0x100: {  	s20 =	simm.s32 $0x1;
	s0 =	rddreg [dreg:$0x6]  }
0x101: {  	[tilespmem:s8], [sflag:$0x1] =	stream.linear.gather [hbm4b:s0+s7], $0x80, $0x38;
	[tilespmem:$0xC200] =	vst v63  }
0x102: {  	_ =	swait.ge [sflag:s20], $0x8000  }
0x103: {  	s21 =	sld [smem:$0x7F9]  }
0x104: {  	[sflag:s20] =	ssyncset.done $0x0  }
0x105: {  	s22 =	simm.s32 $0x200;
	s1 =	simm.s32 $0x3;
	[sflag:s20] =	ssyncadd.s32 $0xFFFF8000  }
0x106: {  	[hbm4b:s21+s7] =	stream.linear.scatter [tilespmem:s22], [sflag:$0x3], $0x8000, $0x38;
	[tilespmem:$0xC200] =	vst v63  }
0x107: {  	_ =	swait.ge [sflag:s1], $0x8000  }
0x108: {  	[sflag:s1] =	ssyncset.done $0x0  }
0x109: {  	s23 =	simm.s32 $0x2;
	[sflag:s1] =	ssyncadd.s32 $0xFFFF8000  }
0x10a: {  	_ =	swait.ge [sflag:s23], $0x1000  }
0x10b: {  	s24 =	sld [smem:$0x7FA]  }
0x10c: {  	s25 =	sld [smem:$0x7FC]  }
0x10d: {  	s26 =	sld [smem:$0x7FD]  }
0x10e: {  	[sflag:s23] =	ssyncset.done $0x0  }
0x10f: {  	[sflag:s23] =	ssyncadd.s32 $0xFFFFF000  }
0x110: {  	[hbm:s24], [sflag:s25] =	dma.local [spmem:s26], $0x1000  }
0x111: {  	_ =	swait.ge [sflag:s1], $0x1000  }
0x112: {  	s28 =	sld [smem:$0x7F7]  }
0x113: {  	s29 =	sld [smem:$0x7FB];
	_ =	sdelay $0x1  }
0x114: {  	s2 =	sadd.s32 $0x1, s28  }
0x115: {  	p0 =	sne.s32 s2, s29  }
.Ltmp1:
0x116: {  	_ = 	snop;
	(pc) =	sbr.rel @p0 .LBB2_1-.Ltmp1, $3  }
0x117: {  	_ =	sdelay $0x1  }
0x118: {  	[sflag:s1] =	ssyncset.done $0x0  }
0x119: {  	[sflag:s1] =	ssyncadd.s32 $0xFFFFF000  }
0x11a: {  	_ =	sfence.sel $0x180000  }
0x11b: {  	[bflag:$0x0] =	sbarrier.arrive $0xFFFF  }
0x11c: {  	_ =	strace $0x90000047  }
0x11d: {  	s0 =	stileid.u32;
	[bflag:$0x2] =	sbarrier.arrive $0xFFFF  }
0x11e: {  	p0 =	sne.s32 s0, $0x0;
	s0 =	rddreg [dreg:$0x3]  }
0x11f: {  	s0 =	sadd.s32 @!p0 $0x100000, s0  }
0x120: {  	[sflag:s0] =	ssyncadd.tile.s32 @!p0 $0x1;
	_ =	shalt  }
.Lfunc_end2:
_tile_overlayer_lowered:
.L_overlay_start_2:
0x121: {  	(tag) =	ssettag $0x2  }
0x122: {  	s0 =	rddreg [dreg:$0x0];
	s2 =	stileid.u32  }
0x123: {  	s1 =	rddreg [dreg:$0x1];
	p0 =	sne.s32 s2, $0x0  }
0x124: {  	s3 =	rddreg [dreg:$0x2];
	[bflag:$0x3] =	sbarrier.arrive $0xFFFF;
	s2 =	simm.s32 @!p0 $0x1C03  }
0x125: {  	[timem:s3], [sflag:s2] =	dma.local @!p0 [hbm:s0], s1  }
0x126: {  	s0 =	simm.s32 @!p0 $0x3  }
0x127: {  	_ =	swait.ge @!p0 [sflag:s0], s1  }
0x128: {  	s1 =	ssub.s32 @!p0 $0x0, s1;
	[sflag:s0] =	ssyncset.done @!p0 $0x0  }
0x129: {  	[sflag:s0] =	ssyncadd.s32 @!p0 s1  }
0x12a: {  	[bflag:$0x3] =	sbarrier.arrive $0xFFFF  }
0x12b: {  	_ =	shalt  }

</sc_bundles>
